<compile_context>
chip_gen: v7x
topology: tpu7x:2x2x1
jax: 0.10.2.dev20260603
libtpu: 0.0.44.dev20260713+nightly
codegen_flags: <defaults>
</compile_context>

<pallas_src>
import functools

import jax
import jax.numpy as jnp
from jax import lax
from jax.experimental import pallas as pl
from jax.experimental.pallas import tpu as pltpu

N = 16
SCALE = 3.0
B = 32768
T = 256
NTILES = B // T
NCELL = N * N * N
W_ITEMS = NTILES + NCELL + 1

DX = 63
DD = 27
TE = 512


def _enc_body(x_ref, d_ref, ex_ref, ed_ref):
    def encode(vec, ncols):
        c = lax.broadcasted_iota(jnp.int32, (TE, ncols), 1)
        t = c - 3
        j = t // 6
        r = t - j * 6
        axis = jnp.where(c < 3, c, r % 3)
        x0 = vec[:, 0:1]
        x1 = vec[:, 1:2]
        x2 = vec[:, 2:3]
        xsel = jnp.where(axis == 0, x0, jnp.where(axis == 1, x1, x2))
        scale = lax.bitcast_convert_type((j + 127) << 23, jnp.float32)
        arg = xsel * scale
        val = jnp.where(r < 3, jnp.sin(arg), jnp.cos(arg))
        return jnp.where(c < 3, xsel, val)

    ex_ref[...] = encode(x_ref[...], DX)
    ed_ref[...] = encode(d_ref[...], DD)


CH = 32


def _pack_body(w1, b1, w2, b2, w3, b3, w4, b4, w5, b5, out_ref):
    out_ref[...] = jnp.zeros((CH, 80, 128), jnp.float32)
    out_ref[:, 0:63, 0:32] = w1[...]
    out_ref[:, 63:64, 0:32] = b1[...]
    out_ref[:, 0:59, 32:64] = w4[...]
    out_ref[:, 59:60, 32:64] = b4[...]
    out_ref[:, 0:32, 64:96] = w2[:, :, 1:33]
    out_ref[:, 32:33, 64:96] = b2[:, :, 1:33]
    out_ref[:, 40:72, 64:96] = w3[...]
    out_ref[:, 72:73, 64:96] = b3[...]
    out_ref[:, 0:32, 96:99] = w5[...]
    out_ref[:, 32:33, 96:99] = b5[...]
    out_ref[:, 0:32, 99:100] = w2[:, :, 0:1]
    out_ref[:, 32:33, 99:100] = b2[:, :, 0:1]


def _mlp_body(s_tile, s_cid, s_s, s_e, s_first,
              ex_ref, ed_ref, bb_ref, out_ref):
    w = pl.program_id(0)
    seg_s = s_s[w]
    seg_e = s_e[w]
    first = s_first[w]
    cid = s_cid[w]

    active = (s_first[w] > 0) | ((seg_e > seg_s) & (cid < NCELL))

    @pl.when(active)
    def _run():
        _mlp_tile(seg_s, seg_e, first, cid, ex_ref, ed_ref, bb_ref, out_ref)


def _mlp_tile(seg_s, seg_e, first, cid, ex_ref, ed_ref, bb_ref, out_ref):
    riota = lax.broadcasted_iota(jnp.int32, (T, 8), 0)
    valid = (riota >= seg_s) & (riota < seg_e) & (cid < NCELL)

    f32 = jnp.float32
    big = bb_ref[0]
    w1 = big[0:64, 0:32]
    w4 = big[0:64, 32:64]
    w2f = big[0:40, 64:96]
    w3 = big[40:80, 64:96]
    sk = big[0:40, 96:104]

    ones = jnp.ones((T, 1), f32)
    z7 = jnp.zeros((T, 7), f32)
    dot = functools.partial(jnp.dot, preferred_element_type=f32)

    a1 = jnp.concatenate([ex_ref[...], ones], axis=1)
    h1 = jnp.maximum(dot(a1, w1), 0.0)
    a2 = jnp.concatenate([h1, ones, z7], axis=1)
    h2 = jnp.maximum(dot(a2, w2f), 0.0)
    sig = jnp.maximum(dot(a2, sk)[:, 3:4], 0.0)
    a3 = jnp.concatenate([h2, ones, z7], axis=1)
    h3 = dot(a3, w3)
    a4 = jnp.concatenate([h3, ed_ref[...], ones,
                          jnp.zeros((T, 4), f32)], axis=1)
    h4 = jnp.maximum(dot(a4, w4), 0.0)
    a5 = jnp.concatenate([h4, ones, z7], axis=1)
    o5 = jax.nn.sigmoid(dot(a5, sk))
    vals = jnp.concatenate([o5[:, 0:3], sig,
                            jnp.zeros((T, 4), f32)], axis=1)

    base = jnp.where(first > 0, jnp.zeros((T, 8), f32), out_ref[...])
    out_ref[...] = jnp.where(valid, vals, base)


def kernel(x, d, weight1, bias1, weight2, bias2, weight3, bias3,
           weight4, bias4, weight5, bias5):
    f32 = jnp.float32
    w1r = weight1.reshape(NCELL, 63, 32)
    b1r = bias1.reshape(NCELL, 1, 32)
    w2r = weight2.reshape(NCELL, 32, 33)
    b2r = bias2.reshape(NCELL, 1, 33)
    w3r = weight3.reshape(NCELL, 32, 32)
    b3r = bias3.reshape(NCELL, 1, 32)
    w4r = weight4.reshape(NCELL, 59, 32)
    b4r = bias4.reshape(NCELL, 1, 32)
    w5r = weight5.reshape(NCELL, 32, 3)
    b5r = bias5.reshape(NCELL, 1, 3)

    def pspec(k, n):
        return pl.BlockSpec((CH, k, n), lambda g: (g, 0, 0))

    big = pl.pallas_call(
        _pack_body,
        grid=(NCELL // CH,),
        in_specs=[pspec(63, 32), pspec(1, 32), pspec(32, 33), pspec(1, 33),
                  pspec(32, 32), pspec(1, 32), pspec(59, 32), pspec(1, 32),
                  pspec(32, 3), pspec(1, 3)],
        out_specs=pl.BlockSpec((CH, 80, 128), lambda g: (g, 0, 0)),
        out_shape=jax.ShapeDtypeStruct((NCELL, 80, 128), jnp.float32),
    )(w1r, b1r, w2r, b2r, w3r, b3r, w4r, b4r, w5r, b5r)

    half = SCALE / 2
    mask = (jnp.abs(x[:, 0]) < half) & (jnp.abs(x[:, 1]) < half) & (jnp.abs(x[:, 2]) < half)
    i = jnp.clip((x / (SCALE / N) + N / 2).astype(jnp.int32), 0, N - 1)
    c = (i[:, 0] * N + i[:, 1]) * N + i[:, 2]
    c = jnp.where(mask, c, NCELL).astype(jnp.int32)

    row = jnp.arange(B, dtype=jnp.int32)
    cs, order = lax.sort((c, row), num_keys=1)
    xs = x[order]
    ds = d[order]

    prev = jnp.concatenate([jnp.full((1,), -1, jnp.int32), cs[:-1]])
    is_new = ((row % T) == 0) | (cs != prev)
    bpos = jnp.where(is_new, row, B)
    rstart = lax.sort(bpos)[:W_ITEMS]
    rnext = jnp.concatenate([rstart[1:], jnp.full((1,), B, jnp.int32)])
    valid_it = rstart < B
    s_tile = jnp.minimum(rstart // T, NTILES - 1)
    s_s = rstart % T
    s_e = jnp.where(valid_it, ((rnext - 1) % T) + 1, 0)
    s_cid = cs[jnp.minimum(rstart, B - 1)]
    s_first = ((s_s == 0) & valid_it).astype(jnp.int32)

    enc = pl.pallas_call(
        _enc_body,
        grid=(B // TE,),
        in_specs=[pl.BlockSpec((TE, 3), lambda t: (t, 0)),
                  pl.BlockSpec((TE, 3), lambda t: (t, 0))],
        out_specs=[pl.BlockSpec((TE, DX), lambda t: (t, 0)),
                   pl.BlockSpec((TE, DD), lambda t: (t, 0))],
        out_shape=[jax.ShapeDtypeStruct((B, DX), jnp.float32),
                   jax.ShapeDtypeStruct((B, DD), jnp.float32)],
    )
    ex, ed = enc(xs, ds)

    grid_spec = pltpu.PrefetchScalarGridSpec(
        num_scalar_prefetch=5,
        grid=(W_ITEMS,),
        in_specs=[
            pl.BlockSpec((T, DX), lambda w, st, sc, ss, se, sf: (st[w], 0)),
            pl.BlockSpec((T, DD), lambda w, st, sc, ss, se, sf: (st[w], 0)),
            pl.BlockSpec((1, 80, 128),
                         lambda w, st, sc, ss, se, sf:
                         (jnp.minimum(sc[w], NCELL - 1), 0, 0)),
        ],
        out_specs=pl.BlockSpec((T, 8), lambda w, st, sc, ss, se, sf: (st[w], 0)),
    )
    out_s = pl.pallas_call(
        _mlp_body,
        grid_spec=grid_spec,
        out_shape=jax.ShapeDtypeStruct((B, 8), jnp.float32),
    )(s_tile, s_cid, s_s, s_e, s_first, ex, ed, big)

    out = jnp.zeros((B, 8), jnp.float32).at[order].set(out_s)
    return out[:, 0:3], out[:, 3:4]

# --- scband reference (transcript-rebuilt; emitter-appended) ---
"""Pipeline reference for scband-kilo-ne-rf-7129645711615 (READ-ONLY COPY).

The authoritative reference and input builder live on the scoring server;
editing this copy changes nothing except your own understanding.
"""

import jax, jax.numpy as jnp
import numpy as np

N = 16
L_LOC = 10
L_DIR = 4
SCALE = 3.0


def position_encoding(x, L):
    out = [x]
    for j in range(L):
        out.append(jnp.sin((2.0 ** j) * x))
        out.append(jnp.cos((2.0 ** j) * x))
    return jnp.concatenate(out, axis=1)[:, None, :]


def setup_inputs(seed: int = 0) -> dict:
    key = jax.random.key(seed)
    ks = jax.random.split(key, 8)
    B = 32768
    x = jax.random.normal(ks[0], (B, 3), dtype=jnp.float32)
    d = jax.random.normal(ks[1], (B, 3), dtype=jnp.float32)

    def u(k, shape, fan_in):
        bound = float(np.sqrt(6.0 / fan_in))
        return jax.random.uniform(k, shape, jnp.float32, -bound, bound)

    D1 = L_LOC * 6 + 3  # 63
    D4 = 32 + L_DIR * 6 + 3  # 59
    weight1 = u(ks[2], (N, N, N, D1, 32), D1)
    weight2 = u(ks[3], (N, N, N, 32, 33), 32)
    weight3 = u(ks[4], (N, N, N, 32, 32), 32)
    weight4 = u(ks[5], (N, N, N, D4, 32), D4)
    weight5 = u(ks[6], (N, N, N, 32, 3), 32)
    bias1 = jnp.full((N, N, N, 1, 32), 0.01, jnp.float32)
    bias2 = jnp.full((N, N, N, 1, 33), 0.01, jnp.float32)
    bias3 = jnp.full((N, N, N, 1, 32), 0.01, jnp.float32)
    bias4 = jnp.full((N, N, N, 1, 32), 0.01, jnp.float32)
    bias5 = jnp.full((N, N, N, 1, 3), 0.01, jnp.float32)
    return {
        'x': x, 'd': d,
        'weight1': weight1, 'bias1': bias1,
        'weight2': weight2, 'bias2': bias2,
        'weight3': weight3, 'bias3': bias3,
        'weight4': weight4, 'bias4': bias4,
        'weight5': weight5, 'bias5': bias5,
    }


def reference(x, d, weight1, bias1, weight2, bias2, weight3, bias3, weight4, bias4, weight5, bias5):
    mask = (jnp.abs(x[:, 0]) < SCALE / 2) & (jnp.abs(x[:, 1]) < SCALE / 2) & (jnp.abs(x[:, 2]) < SCALE / 2)
    embbed_x = position_encoding(x, L_LOC)  # [B,1,63]
    embbed_d = position_encoding(d, L_DIR)  # [B,1,27]
    i = jnp.clip((x / (SCALE / N) + N / 2).astype(jnp.int32), 0, N - 1)
    i0, i1, i2 = i[:, 0], i[:, 1], i[:, 2]
    out = jnp.matmul(embbed_x, weight1[i0, i1, i2]) + bias1[i0, i1, i2]
    out = jax.nn.relu(out)
    out = jnp.matmul(out, weight2[i0, i1, i2]) + bias2[i0, i1, i2]
    out = jax.nn.relu(out)
    sigma = jax.nn.relu(out[:, 0, :])[:, 0:1]
    out = out[:, :, 1:]
    out = jnp.matmul(out, weight3[i0, i1, i2]) + bias3[i0, i1, i2]
    out = jnp.concatenate([out, embbed_d], axis=2)
    out = jnp.matmul(out, weight4[i0, i1, i2]) + bias4[i0, i1, i2]
    out = jax.nn.relu(out)
    out = jnp.matmul(out, weight5[i0, i1, i2]) + bias5[i0, i1, i2]
    out = jax.nn.sigmoid(out)
    c = out[:, 0, :]
    color = jnp.where(mask[:, None], c, 0.0)
    density = jnp.where(mask[:, None], sigma, 0.0)
    return (color, density)

if __name__ == "__main__":
    import jax
    _d = setup_inputs()
    print(jax.jit(kernel)(*tuple(_d.values())))

</pallas_src>

<mosaic_0001>
module attributes {stable_mosaic.version = 14 : i64} {
  func.func @_pack_body(%arg0: i32, %arg1: memref<32x63x32xf32, #tpu.memory_space<vmem>>, %arg2: memref<32x1x32xf32, #tpu.memory_space<vmem>>, %arg3: memref<32x32x33xf32, #tpu.memory_space<vmem>>, %arg4: memref<32x1x33xf32, #tpu.memory_space<vmem>>, %arg5: memref<32x32x32xf32, #tpu.memory_space<vmem>>, %arg6: memref<32x1x32xf32, #tpu.memory_space<vmem>>, %arg7: memref<32x59x32xf32, #tpu.memory_space<vmem>>, %arg8: memref<32x1x32xf32, #tpu.memory_space<vmem>>, %arg9: memref<32x32x3xf32, #tpu.memory_space<vmem>>, %arg10: memref<32x1x3xf32, #tpu.memory_space<vmem>>, %arg11: memref<32x80x128xf32, #tpu.memory_space<vmem>>) attributes {dimension_semantics = [#tpu.dimension_semantics<arbitrary>], iteration_bounds = array<i64: 128>, scalar_prefetch = 0 : i64, scratch_operands = 0 : i64, tpu.core_type = #tpu.core_type<tc>, window_params = [{transform_indices = @transform_0, window_bounds = array<i64: 32, 63, 32>}, {transform_indices = @transform_1, window_bounds = array<i64: 32, 1, 32>}, {transform_indices = @transform_2, window_bounds = array<i64: 32, 32, 33>}, {transform_indices = @transform_3, window_bounds = array<i64: 32, 1, 33>}, {transform_indices = @transform_4, window_bounds = array<i64: 32, 32, 32>}, {transform_indices = @transform_5, window_bounds = array<i64: 32, 1, 32>}, {transform_indices = @transform_6, window_bounds = array<i64: 32, 59, 32>}, {transform_indices = @transform_7, window_bounds = array<i64: 32, 1, 32>}, {transform_indices = @transform_8, window_bounds = array<i64: 32, 32, 3>}, {transform_indices = @transform_9, window_bounds = array<i64: 32, 1, 3>}, {transform_indices = @transform_10, window_bounds = array<i64: 32, 80, 128>}]} {
    %broadcast_in_dim3A = arith.constant 0.000000e+00 : f32
    %broadcast_in_dim3A_0 = vector.broadcast %broadcast_in_dim3A : f32 to vector<32x80x128xf32>
    %swap3A = arith.constant 0 : index
    %swap3A_1 = arith.constant 0 : index
    %swap3A_2 = arith.constant 0 : index
    %swap3A_3 = vector.load %arg11[%swap3A, %swap3A_1, %swap3A_2] : memref<32x80x128xf32, #tpu.memory_space<vmem>>, vector<32x80x128xf32>
    tpu.vector_store %arg11[%swap3A, %swap3A_1, %swap3A_2], %broadcast_in_dim3A_0 {strides = array<i32>} : memref<32x80x128xf32, #tpu.memory_space<vmem>>, vector<32x80x128xf32>,
    %get3A = arith.constant 0 : index
    %get3A_4 = arith.constant 0 : index
    %get3A_5 = arith.constant 0 : index
    %get3A_6 = vector.load %arg1[%get3A, %get3A_4, %get3A_5] : memref<32x63x32xf32, #tpu.memory_space<vmem>>, vector<32x63x32xf32>
    %swap3A_7 = arith.constant 0 : index
    %swap3A_8 = arith.constant 0 : index
    %swap3A_9 = arith.constant 0 : index
    %swap3A_10 = vector.load %arg11[%swap3A_7, %swap3A_8, %swap3A_9] : memref<32x80x128xf32, #tpu.memory_space<vmem>>, vector<32x63x32xf32>
    tpu.vector_store %arg11[%swap3A_7, %swap3A_8, %swap3A_9], %get3A_6 {strides = array<i32>} : memref<32x80x128xf32, #tpu.memory_space<vmem>>, vector<32x63x32xf32>,
    %get3A_11 = arith.constant 0 : index
    %get3A_12 = arith.constant 0 : index
    %get3A_13 = arith.constant 0 : index
    %get3A_14 = vector.load %arg2[%get3A_11, %get3A_12, %get3A_13] : memref<32x1x32xf32, #tpu.memory_space<vmem>>, vector<32x1x32xf32>
    %swap3A_15 = arith.constant 0 : index
    %swap3A_16 = arith.constant 63 : index
    %swap3A_17 = arith.constant 0 : index
    %swap3A_18 = vector.load %arg11[%swap3A_15, %swap3A_16, %swap3A_17] : memref<32x80x128xf32, #tpu.memory_space<vmem>>, vector<32x1x32xf32>
    tpu.vector_store %arg11[%swap3A_15, %swap3A_16, %swap3A_17], %get3A_14 {strides = array<i32>} : memref<32x80x128xf32, #tpu.memory_space<vmem>>, vector<32x1x32xf32>,
    %get3A_19 = arith.constant 0 : index
    %get3A_20 = arith.constant 0 : index
    %get3A_21 = arith.constant 0 : index
    %get3A_22 = vector.load %arg7[%get3A_19, %get3A_20, %get3A_21] : memref<32x59x32xf32, #tpu.memory_space<vmem>>, vector<32x59x32xf32>
    %swap3A_23 = arith.constant 0 : index
    %swap3A_24 = arith.constant 0 : index
    %swap3A_25 = arith.constant 32 : index
    %swap3A_26 = vector.load %arg11[%swap3A_23, %swap3A_24, %swap3A_25] : memref<32x80x128xf32, #tpu.memory_space<vmem>>, vector<32x59x32xf32>
    tpu.vector_store %arg11[%swap3A_23, %swap3A_24, %swap3A_25], %get3A_22 {strides = array<i32>} : memref<32x80x128xf32, #tpu.memory_space<vmem>>, vector<32x59x32xf32>,
    %get3A_27 = arith.constant 0 : index
    %get3A_28 = arith.constant 0 : index
    %get3A_29 = arith.constant 0 : index
    %get3A_30 = vector.load %arg8[%get3A_27, %get3A_28, %get3A_29] : memref<32x1x32xf32, #tpu.memory_space<vmem>>, vector<32x1x32xf32>
    %swap3A_31 = arith.constant 0 : index
    %swap3A_32 = arith.constant 59 : index
    %swap3A_33 = arith.constant 32 : index
    %swap3A_34 = vector.load %arg11[%swap3A_31, %swap3A_32, %swap3A_33] : memref<32x80x128xf32, #tpu.memory_space<vmem>>, vector<32x1x32xf32>
    tpu.vector_store %arg11[%swap3A_31, %swap3A_32, %swap3A_33], %get3A_30 {strides = array<i32>} : memref<32x80x128xf32, #tpu.memory_space<vmem>>, vector<32x1x32xf32>,
    %get3A_35 = arith.constant 0 : index
    %get3A_36 = arith.constant 0 : index
    %get3A_37 = arith.constant 1 : index
    %get3A_38 = vector.load %arg3[%get3A_35, %get3A_36, %get3A_37] : memref<32x32x33xf32, #tpu.memory_space<vmem>>, vector<32x32x32xf32>
    %swap3A_39 = arith.constant 0 : index
    %swap3A_40 = arith.constant 0 : index
    %swap3A_41 = arith.constant 64 : index
    %swap3A_42 = vector.load %arg11[%swap3A_39, %swap3A_40, %swap3A_41] : memref<32x80x128xf32, #tpu.memory_space<vmem>>, vector<32x32x32xf32>
    tpu.vector_store %arg11[%swap3A_39, %swap3A_40, %swap3A_41], %get3A_38 {strides = array<i32>} : memref<32x80x128xf32, #tpu.memory_space<vmem>>, vector<32x32x32xf32>,
    %get3A_43 = arith.constant 0 : index
    %get3A_44 = arith.constant 0 : index
    %get3A_45 = arith.constant 1 : index
    %get3A_46 = vector.load %arg4[%get3A_43, %get3A_44, %get3A_45] : memref<32x1x33xf32, #tpu.memory_space<vmem>>, vector<32x1x32xf32>
    %swap3A_47 = arith.constant 0 : index
    %swap3A_48 = arith.constant 32 : index
    %swap3A_49 = arith.constant 64 : index
    %swap3A_50 = vector.load %arg11[%swap3A_47, %swap3A_48, %swap3A_49] : memref<32x80x128xf32, #tpu.memory_space<vmem>>, vector<32x1x32xf32>
    tpu.vector_store %arg11[%swap3A_47, %swap3A_48, %swap3A_49], %get3A_46 {strides = array<i32>} : memref<32x80x128xf32, #tpu.memory_space<vmem>>, vector<32x1x32xf32>,
    %get3A_51 = arith.constant 0 : index
    %get3A_52 = arith.constant 0 : index
    %get3A_53 = arith.constant 0 : index
    %get3A_54 = vector.load %arg5[%get3A_51, %get3A_52, %get3A_53] : memref<32x32x32xf32, #tpu.memory_space<vmem>>, vector<32x32x32xf32>
    %swap3A_55 = arith.constant 0 : index
    %swap3A_56 = arith.constant 40 : index
    %swap3A_57 = arith.constant 64 : index
    %swap3A_58 = vector.load %arg11[%swap3A_55, %swap3A_56, %swap3A_57] : memref<32x80x128xf32, #tpu.memory_space<vmem>>, vector<32x32x32xf32>
    tpu.vector_store %arg11[%swap3A_55, %swap3A_56, %swap3A_57], %get3A_54 {strides = array<i32>} : memref<32x80x128xf32, #tpu.memory_space<vmem>>, vector<32x32x32xf32>,
    %get3A_59 = arith.constant 0 : index
    %get3A_60 = arith.constant 0 : index
    %get3A_61 = arith.constant 0 : index
    %get3A_62 = vector.load %arg6[%get3A_59, %get3A_60, %get3A_61] : memref<32x1x32xf32, #tpu.memory_space<vmem>>, vector<32x1x32xf32>
    %swap3A_63 = arith.constant 0 : index
    %swap3A_64 = arith.constant 72 : index
    %swap3A_65 = arith.constant 64 : index
    %swap3A_66 = vector.load %arg11[%swap3A_63, %swap3A_64, %swap3A_65] : memref<32x80x128xf32, #tpu.memory_space<vmem>>, vector<32x1x32xf32>
    tpu.vector_store %arg11[%swap3A_63, %swap3A_64, %swap3A_65], %get3A_62 {strides = array<i32>} : memref<32x80x128xf32, #tpu.memory_space<vmem>>, vector<32x1x32xf32>,
    %get3A_67 = arith.constant 0 : index
    %get3A_68 = arith.constant 0 : index
    %get3A_69 = arith.constant 0 : index
    %get3A_70 = vector.load %arg9[%get3A_67, %get3A_68, %get3A_69] : memref<32x32x3xf32, #tpu.memory_space<vmem>>, vector<32x32x3xf32>
    %swap3A_71 = arith.constant 0 : index
    %swap3A_72 = arith.constant 0 : index
    %swap3A_73 = arith.constant 96 : index
    %swap3A_74 = vector.load %arg11[%swap3A_71, %swap3A_72, %swap3A_73] : memref<32x80x128xf32, #tpu.memory_space<vmem>>, vector<32x32x3xf32>
    tpu.vector_store %arg11[%swap3A_71, %swap3A_72, %swap3A_73], %get3A_70 {strides = array<i32>} : memref<32x80x128xf32, #tpu.memory_space<vmem>>, vector<32x32x3xf32>,
    %get3A_75 = arith.constant 0 : index
    %get3A_76 = arith.constant 0 : index
    %get3A_77 = arith.constant 0 : index
    %get3A_78 = vector.load %arg10[%get3A_75, %get3A_76, %get3A_77] : memref<32x1x3xf32, #tpu.memory_space<vmem>>, vector<32x1x3xf32>
    %swap3A_79 = arith.constant 0 : index
    %swap3A_80 = arith.constant 32 : index
    %swap3A_81 = arith.constant 96 : index
    %swap3A_82 = vector.load %arg11[%swap3A_79, %swap3A_80, %swap3A_81] : memref<32x80x128xf32, #tpu.memory_space<vmem>>, vector<32x1x3xf32>
    tpu.vector_store %arg11[%swap3A_79, %swap3A_80, %swap3A_81], %get3A_78 {strides = array<i32>} : memref<32x80x128xf32, #tpu.memory_space<vmem>>, vector<32x1x3xf32>,
    %get3A_83 = arith.constant 0 : index
    %get3A_84 = arith.constant 0 : index
    %get3A_85 = arith.constant 0 : index
    %get3A_86 = vector.load %arg3[%get3A_83, %get3A_84, %get3A_85] : memref<32x32x33xf32, #tpu.memory_space<vmem>>, vector<32x32x1xf32>
    %swap3A_87 = arith.constant 0 : index
    %swap3A_88 = arith.constant 0 : index
    %swap3A_89 = arith.constant 99 : index
    %swap3A_90 = vector.load %arg11[%swap3A_87, %swap3A_88, %swap3A_89] : memref<32x80x128xf32, #tpu.memory_space<vmem>>, vector<32x32x1xf32>
    tpu.vector_store %arg11[%swap3A_87, %swap3A_88, %swap3A_89], %get3A_86 {strides = array<i32>} : memref<32x80x128xf32, #tpu.memory_space<vmem>>, vector<32x32x1xf32>,
    %get3A_91 = arith.constant 0 : index
    %get3A_92 = arith.constant 0 : index
    %get3A_93 = arith.constant 0 : index
    %get3A_94 = vector.load %arg4[%get3A_91, %get3A_92, %get3A_93] : memref<32x1x33xf32, #tpu.memory_space<vmem>>, vector<32x1x1xf32>
    %swap3A_95 = arith.constant 0 : index
    %swap3A_96 = arith.constant 32 : index
    %swap3A_97 = arith.constant 99 : index
    %swap3A_98 = vector.load %arg11[%swap3A_95, %swap3A_96, %swap3A_97] : memref<32x80x128xf32, #tpu.memory_space<vmem>>, vector<32x1x1xf32>
    tpu.vector_store %arg11[%swap3A_95, %swap3A_96, %swap3A_97], %get3A_94 {strides = array<i32>} : memref<32x80x128xf32, #tpu.memory_space<vmem>>, vector<32x1x1xf32>,
    return
  }
  func.func @transform_0(%arg0: i32) -> (i32, i32, i32) {
    %c0_i32 = arith.constant 0 : i32
    %c0_i32_0 = arith.constant 0 : i32
    %c0_i32_1 = arith.constant 0 : i32
    return %arg0, %c0_i32, %c0_i32_0 : i32, i32, i32
  }
  func.func @transform_1(%arg0: i32) -> (i32, i32, i32) {
    %c0_i32 = arith.constant 0 : i32
    %c0_i32_0 = arith.constant 0 : i32
    %c0_i32_1 = arith.constant 0 : i32
    return %arg0, %c0_i32, %c0_i32_0 : i32, i32, i32
  }
  func.func @transform_2(%arg0: i32) -> (i32, i32, i32) {
    %c0_i32 = arith.constant 0 : i32
    %c0_i32_0 = arith.constant 0 : i32
    %c0_i32_1 = arith.constant 0 : i32
    return %arg0, %c0_i32, %c0_i32_0 : i32, i32, i32
  }
  func.func @transform_3(%arg0: i32) -> (i32, i32, i32) {
    %c0_i32 = arith.constant 0 : i32
    %c0_i32_0 = arith.constant 0 : i32
    %c0_i32_1 = arith.constant 0 : i32
    return %arg0, %c0_i32, %c0_i32_0 : i32, i32, i32
  }
  func.func @transform_4(%arg0: i32) -> (i32, i32, i32) {
    %c0_i32 = arith.constant 0 : i32
    %c0_i32_0 = arith.constant 0 : i32
    %c0_i32_1 = arith.constant 0 : i32
    return %arg0, %c0_i32, %c0_i32_0 : i32, i32, i32
  }
  func.func @transform_5(%arg0: i32) -> (i32, i32, i32) {
    %c0_i32 = arith.constant 0 : i32
    %c0_i32_0 = arith.constant 0 : i32
    %c0_i32_1 = arith.constant 0 : i32
    return %arg0, %c0_i32, %c0_i32_0 : i32, i32, i32
  }
  func.func @transform_6(%arg0: i32) -> (i32, i32, i32) {
    %c0_i32 = arith.constant 0 : i32
    %c0_i32_0 = arith.constant 0 : i32
    %c0_i32_1 = arith.constant 0 : i32
    return %arg0, %c0_i32, %c0_i32_0 : i32, i32, i32
  }
  func.func @transform_7(%arg0: i32) -> (i32, i32, i32) {
    %c0_i32 = arith.constant 0 : i32
    %c0_i32_0 = arith.constant 0 : i32
    %c0_i32_1 = arith.constant 0 : i32
    return %arg0, %c0_i32, %c0_i32_0 : i32, i32, i32
  }
  func.func @transform_8(%arg0: i32) -> (i32, i32, i32) {
    %c0_i32 = arith.constant 0 : i32
    %c0_i32_0 = arith.constant 0 : i32
    %c0_i32_1 = arith.constant 0 : i32
    return %arg0, %c0_i32, %c0_i32_0 : i32, i32, i32
  }
  func.func @transform_9(%arg0: i32) -> (i32, i32, i32) {
    %c0_i32 = arith.constant 0 : i32
    %c0_i32_0 = arith.constant 0 : i32
    %c0_i32_1 = arith.constant 0 : i32
    return %arg0, %c0_i32, %c0_i32_0 : i32, i32, i32
  }
  func.func @transform_10(%arg0: i32) -> (i32, i32, i32) {
    %c0_i32 = arith.constant 0 : i32
    %c0_i32_0 = arith.constant 0 : i32
    %c0_i32_1 = arith.constant 0 : i32
    return %arg0, %c0_i32, %c0_i32_0 : i32, i32, i32
  }
}

module attributes {stable_mosaic.version = 14 : i64} {
  func.func @_enc_body(%arg0: i32, %arg1: memref<512x3xf32, #tpu.memory_space<vmem>>, %arg2: memref<512x3xf32, #tpu.memory_space<vmem>>, %arg3: memref<512x63xf32, #tpu.memory_space<vmem>>, %arg4: memref<512x27xf32, #tpu.memory_space<vmem>>) attributes {dimension_semantics = [#tpu.dimension_semantics<arbitrary>], iteration_bounds = array<i64: 64>, scalar_prefetch = 0 : i64, scratch_operands = 0 : i64, tpu.core_type = #tpu.core_type<tc>, window_params = [{transform_indices = @transform_0, window_bounds = array<i64: 512, 3>}, {transform_indices = @transform_1, window_bounds = array<i64: 512, 3>}, {transform_indices = @transform_2, window_bounds = array<i64: 512, 63>}, {transform_indices = @transform_3, window_bounds = array<i64: 512, 27>}]} {
    %get3A = arith.constant 0 : index
    %get3A_0 = arith.constant 0 : index
    %get3A_1 = vector.load %arg1[%get3A, %get3A_0] : memref<512x3xf32, #tpu.memory_space<vmem>>, vector<512x3xf32>
    %iota3A = tpu.iota {dimensions = array<i32: 1>} : vector<512x63xi32>
    %sub3A = arith.constant 3 : i32
    %sub3A_2 = vector.broadcast %sub3A : i32 to vector<512x63xi32>
    %sub3A_3 = arith.subi %iota3A, %sub3A_2 : vector<512x63xi32>
    %jit3A = arith.constant 6 : i32
    %div3A = vector.broadcast %jit3A : i32 to vector<512x63xi32>
    %div3A_4 = arith.divsi %sub3A_3, %div3A : vector<512x63xi32>
    %sign3A = arith.constant 0 : i32
    %sign3A_5 = vector.broadcast %sign3A : i32 to vector<512x63xi32>
    %sign3A_6 = arith.cmpi sgt, %sub3A_3, %sign3A_5 : vector<512x63xi32>
    %sign3A_7 = arith.extui %sign3A_6 : vector<512x63xi1> to vector<512x63xi32>
    %sign3A_8 = arith.constant 0 : i32
    %sign3A_9 = vector.broadcast %sign3A_8 : i32 to vector<512x63xi32>
    %sign3A_10 = arith.cmpi slt, %sub3A_3, %sign3A_9 : vector<512x63xi32>
    %sign3A_11 = arith.extui %sign3A_10 : vector<512x63xi1> to vector<512x63xi32>
    %sign3A_12 = arith.subi %sign3A_7, %sign3A_11 : vector<512x63xi32>
    %sign3A_13 = arith.constant 0 : i32
    %sign3A_14 = arith.cmpi sgt, %jit3A, %sign3A_13 : i32
    %sign3A_15 = arith.extui %sign3A_14 : i1 to i32
    %sign3A_16 = arith.constant 0 : i32
    %sign3A_17 = arith.cmpi slt, %jit3A, %sign3A_16 : i32
    %sign3A_18 = arith.extui %sign3A_17 : i1 to i32
    %sign3A_19 = arith.subi %sign3A_15, %sign3A_18 : i32
    %ne3A = vector.broadcast %sign3A_19 : i32 to vector<512x63xi32>
    %ne3A_20 = arith.cmpi ne, %sign3A_12, %ne3A : vector<512x63xi32>
    %rem3A = vector.broadcast %jit3A : i32 to vector<512x63xi32>
    %rem3A_21 = arith.remsi %sub3A_3, %rem3A : vector<512x63xi32>
    %ne3A_22 = arith.constant 0 : i32
    %ne3A_23 = vector.broadcast %ne3A_22 : i32 to vector<512x63xi32>
    %ne3A_24 = arith.cmpi ne, %rem3A_21, %ne3A_23 : vector<512x63xi32>
    %and3A = arith.andi %ne3A_20, %ne3A_24 : vector<512x63xi1>
    %sub3A_25 = arith.constant 1 : i32
    %sub3A_26 = vector.broadcast %sub3A_25 : i32 to vector<512x63xi32>
    %sub3A_27 = arith.subi %div3A_4, %sub3A_26 : vector<512x63xi32>
    %select_n3A = arith.select %and3A, %sub3A_27, %div3A_4 : vector<512x63xi1>, vector<512x63xi32>
    %mul3A = arith.constant 6 : i32
    %mul3A_28 = vector.broadcast %mul3A : i32 to vector<512x63xi32>
    %mul3A_29 = arith.muli %select_n3A, %mul3A_28 : vector<512x63xi32>
    %sub3A_30 = arith.subi %sub3A_3, %mul3A_29 : vector<512x63xi32>
    %lt3A = arith.constant 3 : i32
    %lt3A_31 = vector.broadcast %lt3A : i32 to vector<512x63xi32>
    %lt3A_32 = arith.cmpi slt, %iota3A, %lt3A_31 : vector<512x63xi32>
    %jit3A_33 = arith.constant 3 : i32
    %eq3A = arith.constant 0 : i32
    %eq3A_34 = arith.cmpi eq, %jit3A_33, %eq3A : i32
    %jit3A_35 = arith.constant 1 : i32
    %select_n3A_36 = arith.select %eq3A_34, %jit3A_35, %jit3A_33 : i32
    %rem3A_37 = vector.broadcast %select_n3A_36 : i32 to vector<512x63xi32>
    %rem3A_38 = arith.remsi %sub3A_30, %rem3A_37 : vector<512x63xi32>
    %ne3A_39 = arith.constant 0 : i32
    %ne3A_40 = vector.broadcast %ne3A_39 : i32 to vector<512x63xi32>
    %ne3A_41 = arith.cmpi ne, %rem3A_38, %ne3A_40 : vector<512x63xi32>
    %lt3A_42 = arith.constant 0 : i32
    %lt3A_43 = vector.broadcast %lt3A_42 : i32 to vector<512x63xi32>
    %lt3A_44 = arith.cmpi slt, %rem3A_38, %lt3A_43 : vector<512x63xi32>
    %lt3A_45 = arith.constant 0 : i32
    %lt3A_46 = arith.cmpi slt, %select_n3A_36, %lt3A_45 : i32
    %ne3A_47 = vector.broadcast %lt3A_46 : i1 to vector<512x63xi1>
    %ne3A_48 = vector.broadcast %ne3A_47 : vector<512x63xi1> to vector<512x63xi1>
    %ne3A_49 = arith.xori %lt3A_44, %ne3A_48 : vector<512x63xi1>
    %and3A_50 = arith.andi %ne3A_49, %ne3A_41 : vector<512x63xi1>
    %add3A = vector.broadcast %select_n3A_36 : i32 to vector<512x63xi32>
    %add3A_51 = arith.addi %rem3A_38, %add3A : vector<512x63xi32>
    %select_n3A_52 = arith.select %and3A_50, %add3A_51, %rem3A_38 : vector<512x63xi1>, vector<512x63xi32>
    %select_n3A_53 = arith.select %lt3A_32, %iota3A, %select_n3A_52 : vector<512x63xi1>, vector<512x63xi32>
    %slice3A = vector.extract_strided_slice %get3A_1 {offsets = [0, 0], sizes = [512, 1], strides = [1, 1]} : vector<512x3xf32> to vector<512x1xf32>
    %slice3A_54 = vector.extract_strided_slice %get3A_1 {offsets = [0, 1], sizes = [512, 1], strides = [1, 1]} : vector<512x3xf32> to vector<512x1xf32>
    %slice3A_55 = vector.extract_strided_slice %get3A_1 {offsets = [0, 2], sizes = [512, 1], strides = [1, 1]} : vector<512x3xf32> to vector<512x1xf32>
    %eq3A_56 = arith.constant 0 : i32
    %eq3A_57 = vector.broadcast %eq3A_56 : i32 to vector<512x63xi32>
    %eq3A_58 = arith.cmpi eq, %select_n3A_53, %eq3A_57 : vector<512x63xi32>
    %eq3A_59 = arith.constant 1 : i32
    %eq3A_60 = vector.broadcast %eq3A_59 : i32 to vector<512x63xi32>
    %eq3A_61 = arith.cmpi eq, %select_n3A_53, %eq3A_60 : vector<512x63xi32>
    %broadcast_in_dim3A = vector.shape_cast %slice3A_54 : vector<512x1xf32> to vector<512x1xf32>
    %broadcast_in_dim3A_62 = vector.broadcast %broadcast_in_dim3A : vector<512x1xf32> to vector<512x63xf32>
    %broadcast_in_dim3A_63 = vector.shape_cast %slice3A_55 : vector<512x1xf32> to vector<512x1xf32>
    %broadcast_in_dim3A_64 = vector.broadcast %broadcast_in_dim3A_63 : vector<512x1xf32> to vector<512x63xf32>
    %select_n3A_65 = arith.select %eq3A_61, %broadcast_in_dim3A_62, %broadcast_in_dim3A_64 : vector<512x63xi1>, vector<512x63xf32>
    %broadcast_in_dim3A_66 = vector.shape_cast %slice3A : vector<512x1xf32> to vector<512x1xf32>
    %broadcast_in_dim3A_67 = vector.broadcast %broadcast_in_dim3A_66 : vector<512x1xf32> to vector<512x63xf32>
    %select_n3A_68 = arith.select %eq3A_58, %broadcast_in_dim3A_67, %select_n3A_65 : vector<512x63xi1>, vector<512x63xf32>
    %add3A_69 = arith.constant 127 : i32
    %add3A_70 = vector.broadcast %add3A_69 : i32 to vector<512x63xi32>
    %add3A_71 = arith.addi %select_n3A, %add3A_70 : vector<512x63xi32>
    %shift_left3A = arith.constant 23 : i32
    %shift_left3A_72 = vector.broadcast %shift_left3A : i32 to vector<512x63xi32>
    %shift_left3A_73 = arith.shli %add3A_71, %shift_left3A_72 : vector<512x63xi32>
    %bitcast_convert_type3A = tpu.bitcast %shift_left3A_73 : vector<512x63xi32> -> vector<512x63xf32>
    %mul3A_74 = arith.mulf %select_n3A_68, %bitcast_convert_type3A : vector<512x63xf32>
    %lt3A_75 = arith.constant 3 : i32
    %lt3A_76 = vector.broadcast %lt3A_75 : i32 to vector<512x63xi32>
    %lt3A_77 = arith.cmpi slt, %sub3A_30, %lt3A_76 : vector<512x63xi32>
    %sin3A = math.sin %mul3A_74 : vector<512x63xf32>
    %cos3A = math.cos %mul3A_74 : vector<512x63xf32>
    %select_n3A_78 = arith.select %lt3A_77, %sin3A, %cos3A : vector<512x63xi1>, vector<512x63xf32>
    %lt3A_79 = arith.constant 3 : i32
    %lt3A_80 = vector.broadcast %lt3A_79 : i32 to vector<512x63xi32>
    %lt3A_81 = arith.cmpi slt, %iota3A, %lt3A_80 : vector<512x63xi32>
    %select_n3A_82 = arith.select %lt3A_81, %select_n3A_68, %select_n3A_78 : vector<512x63xi1>, vector<512x63xf32>
    %swap3A = arith.constant 0 : index
    %swap3A_83 = arith.constant 0 : index
    %swap3A_84 = vector.load %arg3[%swap3A, %swap3A_83] : memref<512x63xf32, #tpu.memory_space<vmem>>, vector<512x63xf32>
    tpu.vector_store %arg3[%swap3A, %swap3A_83], %select_n3A_82 {strides = array<i32>} : memref<512x63xf32, #tpu.memory_space<vmem>>, vector<512x63xf32>,
    %get3A_85 = arith.constant 0 : index
    %get3A_86 = arith.constant 0 : index
    %get3A_87 = vector.load %arg2[%get3A_85, %get3A_86] : memref<512x3xf32, #tpu.memory_space<vmem>>, vector<512x3xf32>
    %iota3A_88 = tpu.iota {dimensions = array<i32: 1>} : vector<512x27xi32>
    %sub3A_89 = arith.constant 3 : i32
    %sub3A_90 = vector.broadcast %sub3A_89 : i32 to vector<512x27xi32>
    %sub3A_91 = arith.subi %iota3A_88, %sub3A_90 : vector<512x27xi32>
    %jit3A_92 = arith.constant 6 : i32
    %div3A_93 = vector.broadcast %jit3A_92 : i32 to vector<512x27xi32>
    %div3A_94 = arith.divsi %sub3A_91, %div3A_93 : vector<512x27xi32>
    %sign3A_95 = arith.constant 0 : i32
    %sign3A_96 = vector.broadcast %sign3A_95 : i32 to vector<512x27xi32>
    %sign3A_97 = arith.cmpi sgt, %sub3A_91, %sign3A_96 : vector<512x27xi32>
    %sign3A_98 = arith.extui %sign3A_97 : vector<512x27xi1> to vector<512x27xi32>
    %sign3A_99 = arith.constant 0 : i32
    %sign3A_100 = vector.broadcast %sign3A_99 : i32 to vector<512x27xi32>
    %sign3A_101 = arith.cmpi slt, %sub3A_91, %sign3A_100 : vector<512x27xi32>
    %sign3A_102 = arith.extui %sign3A_101 : vector<512x27xi1> to vector<512x27xi32>
    %sign3A_103 = arith.subi %sign3A_98, %sign3A_102 : vector<512x27xi32>
    %sign3A_104 = arith.constant 0 : i32
    %sign3A_105 = arith.cmpi sgt, %jit3A_92, %sign3A_104 : i32
    %sign3A_106 = arith.extui %sign3A_105 : i1 to i32
    %sign3A_107 = arith.constant 0 : i32
    %sign3A_108 = arith.cmpi slt, %jit3A_92, %sign3A_107 : i32
    %sign3A_109 = arith.extui %sign3A_108 : i1 to i32
    %sign3A_110 = arith.subi %sign3A_106, %sign3A_109 : i32
    %ne3A_111 = vector.broadcast %sign3A_110 : i32 to vector<512x27xi32>
    %ne3A_112 = arith.cmpi ne, %sign3A_103, %ne3A_111 : vector<512x27xi32>
    %rem3A_113 = vector.broadcast %jit3A_92 : i32 to vector<512x27xi32>
    %rem3A_114 = arith.remsi %sub3A_91, %rem3A_113 : vector<512x27xi32>
    %ne3A_115 = arith.constant 0 : i32
    %ne3A_116 = vector.broadcast %ne3A_115 : i32 to vector<512x27xi32>
    %ne3A_117 = arith.cmpi ne, %rem3A_114, %ne3A_116 : vector<512x27xi32>
    %and3A_118 = arith.andi %ne3A_112, %ne3A_117 : vector<512x27xi1>
    %sub3A_119 = arith.constant 1 : i32
    %sub3A_120 = vector.broadcast %sub3A_119 : i32 to vector<512x27xi32>
    %sub3A_121 = arith.subi %div3A_94, %sub3A_120 : vector<512x27xi32>
    %select_n3A_122 = arith.select %and3A_118, %sub3A_121, %div3A_94 : vector<512x27xi1>, vector<512x27xi32>
    %mul3A_123 = arith.constant 6 : i32
    %mul3A_124 = vector.broadcast %mul3A_123 : i32 to vector<512x27xi32>
    %mul3A_125 = arith.muli %select_n3A_122, %mul3A_124 : vector<512x27xi32>
    %sub3A_126 = arith.subi %sub3A_91, %mul3A_125 : vector<512x27xi32>
    %lt3A_127 = arith.constant 3 : i32
    %lt3A_128 = vector.broadcast %lt3A_127 : i32 to vector<512x27xi32>
    %lt3A_129 = arith.cmpi slt, %iota3A_88, %lt3A_128 : vector<512x27xi32>
    %jit3A_130 = arith.constant 3 : i32
    %eq3A_131 = arith.constant 0 : i32
    %eq3A_132 = arith.cmpi eq, %jit3A_130, %eq3A_131 : i32
    %jit3A_133 = arith.constant 1 : i32
    %select_n3A_134 = arith.select %eq3A_132, %jit3A_133, %jit3A_130 : i32
    %rem3A_135 = vector.broadcast %select_n3A_134 : i32 to vector<512x27xi32>
    %rem3A_136 = arith.remsi %sub3A_126, %rem3A_135 : vector<512x27xi32>
    %ne3A_137 = arith.constant 0 : i32
    %ne3A_138 = vector.broadcast %ne3A_137 : i32 to vector<512x27xi32>
    %ne3A_139 = arith.cmpi ne, %rem3A_136, %ne3A_138 : vector<512x27xi32>
    %lt3A_140 = arith.constant 0 : i32
    %lt3A_141 = vector.broadcast %lt3A_140 : i32 to vector<512x27xi32>
    %lt3A_142 = arith.cmpi slt, %rem3A_136, %lt3A_141 : vector<512x27xi32>
    %lt3A_143 = arith.constant 0 : i32
    %lt3A_144 = arith.cmpi slt, %select_n3A_134, %lt3A_143 : i32
    %ne3A_145 = vector.broadcast %lt3A_144 : i1 to vector<512x27xi1>
    %ne3A_146 = vector.broadcast %ne3A_145 : vector<512x27xi1> to vector<512x27xi1>
    %ne3A_147 = arith.xori %lt3A_142, %ne3A_146 : vector<512x27xi1>
    %and3A_148 = arith.andi %ne3A_147, %ne3A_139 : vector<512x27xi1>
    %add3A_149 = vector.broadcast %select_n3A_134 : i32 to vector<512x27xi32>
    %add3A_150 = arith.addi %rem3A_136, %add3A_149 : vector<512x27xi32>
    %select_n3A_151 = arith.select %and3A_148, %add3A_150, %rem3A_136 : vector<512x27xi1>, vector<512x27xi32>
    %select_n3A_152 = arith.select %lt3A_129, %iota3A_88, %select_n3A_151 : vector<512x27xi1>, vector<512x27xi32>
    %slice3A_153 = vector.extract_strided_slice %get3A_87 {offsets = [0, 0], sizes = [512, 1], strides = [1, 1]} : vector<512x3xf32> to vector<512x1xf32>
    %slice3A_154 = vector.extract_strided_slice %get3A_87 {offsets = [0, 1], sizes = [512, 1], strides = [1, 1]} : vector<512x3xf32> to vector<512x1xf32>
    %slice3A_155 = vector.extract_strided_slice %get3A_87 {offsets = [0, 2], sizes = [512, 1], strides = [1, 1]} : vector<512x3xf32> to vector<512x1xf32>
    %eq3A_156 = arith.constant 0 : i32
    %eq3A_157 = vector.broadcast %eq3A_156 : i32 to vector<512x27xi32>
    %eq3A_158 = arith.cmpi eq, %select_n3A_152, %eq3A_157 : vector<512x27xi32>
    %eq3A_159 = arith.constant 1 : i32
    %eq3A_160 = vector.broadcast %eq3A_159 : i32 to vector<512x27xi32>
    %eq3A_161 = arith.cmpi eq, %select_n3A_152, %eq3A_160 : vector<512x27xi32>
    %broadcast_in_dim3A_162 = vector.shape_cast %slice3A_154 : vector<512x1xf32> to vector<512x1xf32>
    %broadcast_in_dim3A_163 = vector.broadcast %broadcast_in_dim3A_162 : vector<512x1xf32> to vector<512x27xf32>
    %broadcast_in_dim3A_164 = vector.shape_cast %slice3A_155 : vector<512x1xf32> to vector<512x1xf32>
    %broadcast_in_dim3A_165 = vector.broadcast %broadcast_in_dim3A_164 : vector<512x1xf32> to vector<512x27xf32>
    %select_n3A_166 = arith.select %eq3A_161, %broadcast_in_dim3A_163, %broadcast_in_dim3A_165 : vector<512x27xi1>, vector<512x27xf32>
    %broadcast_in_dim3A_167 = vector.shape_cast %slice3A_153 : vector<512x1xf32> to vector<512x1xf32>
    %broadcast_in_dim3A_168 = vector.broadcast %broadcast_in_dim3A_167 : vector<512x1xf32> to vector<512x27xf32>
    %select_n3A_169 = arith.select %eq3A_158, %broadcast_in_dim3A_168, %select_n3A_166 : vector<512x27xi1>, vector<512x27xf32>
    %add3A_170 = arith.constant 127 : i32
    %add3A_171 = vector.broadcast %add3A_170 : i32 to vector<512x27xi32>
    %add3A_172 = arith.addi %select_n3A_122, %add3A_171 : vector<512x27xi32>
    %shift_left3A_173 = arith.constant 23 : i32
    %shift_left3A_174 = vector.broadcast %shift_left3A_173 : i32 to vector<512x27xi32>
    %shift_left3A_175 = arith.shli %add3A_172, %shift_left3A_174 : vector<512x27xi32>
    %bitcast_convert_type3A_176 = tpu.bitcast %shift_left3A_175 : vector<512x27xi32> -> vector<512x27xf32>
    %mul3A_177 = arith.mulf %select_n3A_169, %bitcast_convert_type3A_176 : vector<512x27xf32>
    %lt3A_178 = arith.constant 3 : i32
    %lt3A_179 = vector.broadcast %lt3A_178 : i32 to vector<512x27xi32>
    %lt3A_180 = arith.cmpi slt, %sub3A_126, %lt3A_179 : vector<512x27xi32>
    %sin3A_181 = math.sin %mul3A_177 : vector<512x27xf32>
    %cos3A_182 = math.cos %mul3A_177 : vector<512x27xf32>
    %select_n3A_183 = arith.select %lt3A_180, %sin3A_181, %cos3A_182 : vector<512x27xi1>, vector<512x27xf32>
    %lt3A_184 = arith.constant 3 : i32
    %lt3A_185 = vector.broadcast %lt3A_184 : i32 to vector<512x27xi32>
    %lt3A_186 = arith.cmpi slt, %iota3A_88, %lt3A_185 : vector<512x27xi32>
    %select_n3A_187 = arith.select %lt3A_186, %select_n3A_169, %select_n3A_183 : vector<512x27xi1>, vector<512x27xf32>
    %swap3A_188 = arith.constant 0 : index
    %swap3A_189 = arith.constant 0 : index
    %swap3A_190 = vector.load %arg4[%swap3A_188, %swap3A_189] : memref<512x27xf32, #tpu.memory_space<vmem>>, vector<512x27xf32>
    tpu.vector_store %arg4[%swap3A_188, %swap3A_189], %select_n3A_187 {strides = array<i32>} : memref<512x27xf32, #tpu.memory_space<vmem>>, vector<512x27xf32>,
    return
  }
  func.func @transform_0(%arg0: i32) -> (i32, i32) {
    %c0_i32 = arith.constant 0 : i32
    %c0_i32_0 = arith.constant 0 : i32
    return %arg0, %c0_i32 : i32, i32
  }
  func.func @transform_1(%arg0: i32) -> (i32, i32) {
    %c0_i32 = arith.constant 0 : i32
    %c0_i32_0 = arith.constant 0 : i32
    return %arg0, %c0_i32 : i32, i32
  }
  func.func @transform_2(%arg0: i32) -> (i32, i32) {
    %c0_i32 = arith.constant 0 : i32
    %c0_i32_0 = arith.constant 0 : i32
    return %arg0, %c0_i32 : i32, i32
  }
  func.func @transform_3(%arg0: i32) -> (i32, i32) {
    %c0_i32 = arith.constant 0 : i32
    %c0_i32_0 = arith.constant 0 : i32
    return %arg0, %c0_i32 : i32, i32
  }
}

module attributes {stable_mosaic.version = 14 : i64} {
  func.func @_mlp_body(%arg0: i32, %arg1: memref<4225xi32, #tpu.memory_space<smem>>, %arg2: memref<4225xi32, #tpu.memory_space<smem>>, %arg3: memref<4225xi32, #tpu.memory_space<smem>>, %arg4: memref<4225xi32, #tpu.memory_space<smem>>, %arg5: memref<4225xi32, #tpu.memory_space<smem>>, %arg6: memref<256x63xf32, #tpu.memory_space<vmem>>, %arg7: memref<256x27xf32, #tpu.memory_space<vmem>>, %arg8: memref<1x80x128xf32, #tpu.memory_space<vmem>>, %arg9: memref<256x8xf32, #tpu.memory_space<vmem>>) attributes {dimension_semantics = [#tpu.dimension_semantics<arbitrary>], iteration_bounds = array<i64: 4225>, scalar_prefetch = 5 : i64, scratch_operands = 0 : i64, tpu.core_type = #tpu.core_type<tc>, window_params = [{transform_indices = @transform_0, window_bounds = array<i64: 256, 63>}, {transform_indices = @transform_1, window_bounds = array<i64: 256, 27>}, {transform_indices = @transform_2, window_bounds = array<i64: 1, 80, 128>}, {transform_indices = @transform_3, window_bounds = array<i64: 256, 8>}]} {
    %get3A = arith.index_cast %arg0 : i32 to index
    %get3A_0 = memref.load %arg3[%get3A] : memref<4225xi32, #tpu.memory_space<smem>>
    %get3A_1 = arith.index_cast %arg0 : i32 to index
    %get3A_2 = memref.load %arg4[%get3A_1] : memref<4225xi32, #tpu.memory_space<smem>>
    %get3A_3 = arith.index_cast %arg0 : i32 to index
    %get3A_4 = memref.load %arg5[%get3A_3] : memref<4225xi32, #tpu.memory_space<smem>>
    %get3A_5 = arith.index_cast %arg0 : i32 to index
    %get3A_6 = memref.load %arg2[%get3A_5] : memref<4225xi32, #tpu.memory_space<smem>>
    %get3A_7 = arith.index_cast %arg0 : i32 to index
    %get3A_8 = memref.load %arg5[%get3A_7] : memref<4225xi32, #tpu.memory_space<smem>>
    %gt3A = arith.constant 0 : i32
    %gt3A_9 = arith.cmpi sgt, %get3A_8, %gt3A : i32
    %gt3A_10 = arith.cmpi sgt, %get3A_2, %get3A_0 : i32
    %lt3A = arith.constant 4096 : i32
    %lt3A_11 = arith.cmpi slt, %get3A_6, %lt3A : i32
    %and3A = arith.andi %gt3A_10, %lt3A_11 : i1
    %or3A = arith.ori %gt3A_9, %and3A : i1
    %convert_element_type3A = arith.extui %or3A : i1 to i32
    %cond3A = arith.constant 0 : i32
    %cond3A_12 = arith.cmpi ne, %convert_element_type3A, %cond3A : i32
    scf.if %cond3A_12 {
      %iota3A = tpu.iota {dimensions = array<i32: 0>} : vector<256x8xi32>
      %ge3A = vector.broadcast %get3A_0 : i32 to vector<256x8xi32>
      %ge3A_13 = arith.cmpi sge, %iota3A, %ge3A : vector<256x8xi32>
      %lt3A_14 = vector.broadcast %get3A_2 : i32 to vector<256x8xi32>
      %lt3A_15 = arith.cmpi slt, %iota3A, %lt3A_14 : vector<256x8xi32>
      %and3A_16 = arith.andi %ge3A_13, %lt3A_15 : vector<256x8xi1>
      %lt3A_17 = arith.constant 4096 : i32
      %lt3A_18 = arith.cmpi slt, %get3A_6, %lt3A_17 : i32
      %and3A_19 = vector.broadcast %lt3A_18 : i1 to vector<256x8xi1>
      %and3A_20 = arith.andi %and3A_16, %and3A_19 : vector<256x8xi1>
      %get3A_21 = arith.constant 0 : index
      %get3A_22 = arith.constant 0 : index
      %get3A_23 = arith.constant 0 : index
      %get3A_24 = vector.load %arg8[%get3A_21, %get3A_22, %get3A_23] : memref<1x80x128xf32, #tpu.memory_space<vmem>>, vector<1x80x128xf32>
      %get3A_25 = vector.shape_cast %get3A_24 : vector<1x80x128xf32> to vector<80x128xf32>
      %slice3A = vector.extract_strided_slice %get3A_25 {offsets = [0, 0], sizes = [64, 32], strides = [1, 1]} : vector<80x128xf32> to vector<64x32xf32>
      %slice3A_26 = vector.extract_strided_slice %get3A_25 {offsets = [0, 32], sizes = [64, 32], strides = [1, 1]} : vector<80x128xf32> to vector<64x32xf32>
      %slice3A_27 = vector.extract_strided_slice %get3A_25 {offsets = [0, 64], sizes = [40, 32], strides = [1, 1]} : vector<80x128xf32> to vector<40x32xf32>
      %slice3A_28 = vector.extract_strided_slice %get3A_25 {offsets = [40, 64], sizes = [40, 32], strides = [1, 1]} : vector<80x128xf32> to vector<40x32xf32>
      %slice3A_29 = vector.extract_strided_slice %get3A_25 {offsets = [0, 96], sizes = [40, 8], strides = [1, 1]} : vector<80x128xf32> to vector<40x8xf32>
      %broadcast_in_dim3A = arith.constant 1.000000e+00 : f32
      %broadcast_in_dim3A_30 = vector.broadcast %broadcast_in_dim3A : f32 to vector<256x1xf32>
      %broadcast_in_dim3A_31 = arith.constant 0.000000e+00 : f32
      %broadcast_in_dim3A_32 = vector.broadcast %broadcast_in_dim3A_31 : f32 to vector<256x7xf32>
      %get3A_33 = arith.constant 0 : index
      %get3A_34 = arith.constant 0 : index
      %get3A_35 = vector.load %arg6[%get3A_33, %get3A_34] : memref<256x63xf32, #tpu.memory_space<vmem>>, vector<256x63xf32>
      %concatenate3A = tpu.concatenate %get3A_35, %broadcast_in_dim3A_30 in 1 : vector<256x63xf32>, vector<256x1xf32> -> vector<256x64xf32>
      %dot_general3A = arith.constant dense<0.000000e+00> : vector<256x32xf32>
      %dot_general3A_36 = tpu.matmul %concatenate3A, %slice3A, %dot_general3A {dimension_numbers = #tpu.dot_dimension_numbers<[1], [0], [0], [1], [0, 0, 1, 1], [], []>, transpose_lhs_hint = false} : vector<256x64xf32>, vector<64x32xf32>, vector<256x32xf32> -> vector<256x32xf32>
      %max3A = arith.constant 0.000000e+00 : f32
      %max3A_37 = vector.broadcast %max3A : f32 to vector<256x32xf32>
      %max3A_38 = arith.maximumf %dot_general3A_36, %max3A_37 : vector<256x32xf32>
      %concatenate3A_39 = tpu.concatenate %max3A_38, %broadcast_in_dim3A_30, %broadcast_in_dim3A_32 in 1 : vector<256x32xf32>, vector<256x1xf32>, vector<256x7xf32> -> vector<256x40xf32>
      %dot_general3A_40 = arith.constant dense<0.000000e+00> : vector<256x32xf32>
      %dot_general3A_41 = tpu.matmul %concatenate3A_39, %slice3A_27, %dot_general3A_40 {dimension_numbers = #tpu.dot_dimension_numbers<[1], [0], [0], [1], [0, 0, 1, 1], [], []>, transpose_lhs_hint = false} : vector<256x40xf32>, vector<40x32xf32>, vector<256x32xf32> -> vector<256x32xf32>
      %max3A_42 = arith.constant 0.000000e+00 : f32
      %max3A_43 = vector.broadcast %max3A_42 : f32 to vector<256x32xf32>
      %max3A_44 = arith.maximumf %dot_general3A_41, %max3A_43 : vector<256x32xf32>
      %dot_general3A_45 = arith.constant dense<0.000000e+00> : vector<256x8xf32>
      %dot_general3A_46 = tpu.matmul %concatenate3A_39, %slice3A_29, %dot_general3A_45 {dimension_numbers = #tpu.dot_dimension_numbers<[1], [0], [0], [1], [0, 0, 1, 1], [], []>, transpose_lhs_hint = false} : vector<256x40xf32>, vector<40x8xf32>, vector<256x8xf32> -> vector<256x8xf32>
      %slice3A_47 = vector.extract_strided_slice %dot_general3A_46 {offsets = [0, 3], sizes = [256, 1], strides = [1, 1]} : vector<256x8xf32> to vector<256x1xf32>
      %max3A_48 = arith.constant 0.000000e+00 : f32
      %max3A_49 = vector.broadcast %max3A_48 : f32 to vector<256x1xf32>
      %max3A_50 = arith.maximumf %slice3A_47, %max3A_49 : vector<256x1xf32>
      %concatenate3A_51 = tpu.concatenate %max3A_44, %broadcast_in_dim3A_30, %broadcast_in_dim3A_32 in 1 : vector<256x32xf32>, vector<256x1xf32>, vector<256x7xf32> -> vector<256x40xf32>
      %dot_general3A_52 = arith.constant dense<0.000000e+00> : vector<256x32xf32>
      %dot_general3A_53 = tpu.matmul %concatenate3A_51, %slice3A_28, %dot_general3A_52 {dimension_numbers = #tpu.dot_dimension_numbers<[1], [0], [0], [1], [0, 0, 1, 1], [], []>, transpose_lhs_hint = false} : vector<256x40xf32>, vector<40x32xf32>, vector<256x32xf32> -> vector<256x32xf32>
      %get3A_54 = arith.constant 0 : index
      %get3A_55 = arith.constant 0 : index
      %get3A_56 = vector.load %arg7[%get3A_54, %get3A_55] : memref<256x27xf32, #tpu.memory_space<vmem>>, vector<256x27xf32>
      %broadcast_in_dim3A_57 = arith.constant 0.000000e+00 : f32
      %broadcast_in_dim3A_58 = vector.broadcast %broadcast_in_dim3A_57 : f32 to vector<256x4xf32>
      %concatenate3A_59 = tpu.concatenate %dot_general3A_53, %get3A_56, %broadcast_in_dim3A_30, %broadcast_in_dim3A_58 in 1 : vector<256x32xf32>, vector<256x27xf32>, vector<256x1xf32>, vector<256x4xf32> -> vector<256x64xf32>
      %dot_general3A_60 = arith.constant dense<0.000000e+00> : vector<256x32xf32>
      %dot_general3A_61 = tpu.matmul %concatenate3A_59, %slice3A_26, %dot_general3A_60 {dimension_numbers = #tpu.dot_dimension_numbers<[1], [0], [0], [1], [0, 0, 1, 1], [], []>, transpose_lhs_hint = false} : vector<256x64xf32>, vector<64x32xf32>, vector<256x32xf32> -> vector<256x32xf32>
      %max3A_62 = arith.constant 0.000000e+00 : f32
      %max3A_63 = vector.broadcast %max3A_62 : f32 to vector<256x32xf32>
      %max3A_64 = arith.maximumf %dot_general3A_61, %max3A_63 : vector<256x32xf32>
      %concatenate3A_65 = tpu.concatenate %max3A_64, %broadcast_in_dim3A_30, %broadcast_in_dim3A_32 in 1 : vector<256x32xf32>, vector<256x1xf32>, vector<256x7xf32> -> vector<256x40xf32>
      %dot_general3A_66 = arith.constant dense<0.000000e+00> : vector<256x8xf32>
      %dot_general3A_67 = tpu.matmul %concatenate3A_65, %slice3A_29, %dot_general3A_66 {dimension_numbers = #tpu.dot_dimension_numbers<[1], [0], [0], [1], [0, 0, 1, 1], [], []>, transpose_lhs_hint = false} : vector<256x40xf32>, vector<40x8xf32>, vector<256x8xf32> -> vector<256x8xf32>
      %logistic3A = arith.negf %dot_general3A_67 : vector<256x8xf32>
      %logistic3A_68 = math.exp %logistic3A : vector<256x8xf32>
      %logistic3A_69 = arith.constant 1.000000e+00 : f32
      %logistic3A_70 = vector.broadcast %logistic3A_69 : f32 to vector<256x8xf32>
      %logistic3A_71 = arith.addf %logistic3A_70, %logistic3A_68 : vector<256x8xf32>
      %logistic3A_72 = arith.divf %logistic3A_70, %logistic3A_71 : vector<256x8xf32>
      %slice3A_73 = vector.extract_strided_slice %logistic3A_72 {offsets = [0, 0], sizes = [256, 3], strides = [1, 1]} : vector<256x8xf32> to vector<256x3xf32>
      %broadcast_in_dim3A_74 = arith.constant 0.000000e+00 : f32
      %broadcast_in_dim3A_75 = vector.broadcast %broadcast_in_dim3A_74 : f32 to vector<256x4xf32>
      %concatenate3A_76 = tpu.concatenate %slice3A_73, %max3A_50, %broadcast_in_dim3A_75 in 1 : vector<256x3xf32>, vector<256x1xf32>, vector<256x4xf32> -> vector<256x8xf32>
      %gt3A_77 = arith.constant 0 : i32
      %gt3A_78 = arith.cmpi sgt, %get3A_4, %gt3A_77 : i32
      %broadcast_in_dim3A_79 = arith.constant 0.000000e+00 : f32
      %broadcast_in_dim3A_80 = vector.broadcast %broadcast_in_dim3A_79 : f32 to vector<256x8xf32>
      %get3A_81 = arith.constant 0 : index
      %get3A_82 = arith.constant 0 : index
      %get3A_83 = vector.load %arg9[%get3A_81, %get3A_82] : memref<256x8xf32, #tpu.memory_space<vmem>>, vector<256x8xf32>
      %select_n3A = arith.select %gt3A_78, %broadcast_in_dim3A_80, %get3A_83 : vector<256x8xf32>
      %select_n3A_84 = arith.select %and3A_20, %concatenate3A_76, %select_n3A : vector<256x8xi1>, vector<256x8xf32>
      %swap3A = arith.constant 0 : index
      %swap3A_85 = arith.constant 0 : index
      %swap3A_86 = vector.load %arg9[%swap3A, %swap3A_85] : memref<256x8xf32, #tpu.memory_space<vmem>>, vector<256x8xf32>
      tpu.vector_store %arg9[%swap3A, %swap3A_85], %select_n3A_84 {strides = array<i32>} : memref<256x8xf32, #tpu.memory_space<vmem>>, vector<256x8xf32>,
    } else {
    }
    return
  }
  func.func @transform_0(%arg0: i32, %arg1: memref<4225xi32, #tpu.memory_space<smem>>, %arg2: memref<4225xi32, #tpu.memory_space<smem>>, %arg3: memref<4225xi32, #tpu.memory_space<smem>>, %arg4: memref<4225xi32, #tpu.memory_space<smem>>, %arg5: memref<4225xi32, #tpu.memory_space<smem>>) -> (i32, i32) {
    %get3A = arith.index_cast %arg0 : i32 to index
    %get3A_0 = memref.load %arg1[%get3A] : memref<4225xi32, #tpu.memory_space<smem>>
    %c0_i32 = arith.constant 0 : i32
    %c0_i32_1 = arith.constant 0 : i32
    return %get3A_0, %c0_i32 : i32, i32
  }
  func.func @transform_1(%arg0: i32, %arg1: memref<4225xi32, #tpu.memory_space<smem>>, %arg2: memref<4225xi32, #tpu.memory_space<smem>>, %arg3: memref<4225xi32, #tpu.memory_space<smem>>, %arg4: memref<4225xi32, #tpu.memory_space<smem>>, %arg5: memref<4225xi32, #tpu.memory_space<smem>>) -> (i32, i32) {
    %get3A = arith.index_cast %arg0 : i32 to index
    %get3A_0 = memref.load %arg1[%get3A] : memref<4225xi32, #tpu.memory_space<smem>>
    %c0_i32 = arith.constant 0 : i32
    %c0_i32_1 = arith.constant 0 : i32
    return %get3A_0, %c0_i32 : i32, i32
  }
  func.func @transform_2(%arg0: i32, %arg1: memref<4225xi32, #tpu.memory_space<smem>>, %arg2: memref<4225xi32, #tpu.memory_space<smem>>, %arg3: memref<4225xi32, #tpu.memory_space<smem>>, %arg4: memref<4225xi32, #tpu.memory_space<smem>>, %arg5: memref<4225xi32, #tpu.memory_space<smem>>) -> (i32, i32, i32) {
    %get3A = arith.index_cast %arg0 : i32 to index
    %get3A_0 = memref.load %arg2[%get3A] : memref<4225xi32, #tpu.memory_space<smem>>
    %min3A = arith.constant 4095 : i32
    %min3A_1 = arith.minsi %get3A_0, %min3A : i32
    %c0_i32 = arith.constant 0 : i32
    %c0_i32_2 = arith.constant 0 : i32
    %c0_i32_3 = arith.constant 0 : i32
    return %min3A_1, %c0_i32, %c0_i32_2 : i32, i32, i32
  }
  func.func @transform_3(%arg0: i32, %arg1: memref<4225xi32, #tpu.memory_space<smem>>, %arg2: memref<4225xi32, #tpu.memory_space<smem>>, %arg3: memref<4225xi32, #tpu.memory_space<smem>>, %arg4: memref<4225xi32, #tpu.memory_space<smem>>, %arg5: memref<4225xi32, #tpu.memory_space<smem>>) -> (i32, i32) {
    %get3A = arith.index_cast %arg0 : i32 to index
    %get3A_0 = memref.load %arg1[%get3A] : memref<4225xi32, #tpu.memory_space<smem>>
    %c0_i32 = arith.constant 0 : i32
    %c0_i32_1 = arith.constant 0 : i32
    return %get3A_0, %c0_i32 : i32, i32
  }
}

</mosaic_0001>

<sc_bundles>
// kernel: gather_offload_async_start.1
scs
__scs_entry_jumppad:
0x0: {  	(pc) =	sbr.rel $0x88, $3  }
0x1: {  	(tag) =	ssettag $0x0;
	lr =	simm.s32 $0x1  }
0x2: {  	[smem:$0x3F95] =	sst lr;
	_ =	strace $0xD0000000  }
0x3: {  	_ = 	snop  }
0x4: {  	_ = 	snop  }
0x5: {  	_ = 	snop  }
0x6: {  	_ = 	snop  }
0x7: {  	_ = 	snop  }
__scs_overlays_trampoline_lowered:
0x8: {  	[smem:$0x3FA4] =	sst s0  }
0x9: {  	[smem:$0x3FA5] =	sst s1  }
0xa: {  	[smem:$0x3FA6] =	sst s2  }
0xb: {  	[smem:$0x3FA7] =	sst s3  }
0xc: {  	[smem:$0x3FA8] =	sst s4  }
0xd: {  	[smem:$0x3FA9] =	sst s5  }
0xe: {  	[smem:$0x3FAA] =	sst s6  }
0xf: {  	[smem:$0x3FAB] =	sst s7  }
0x10: {  	[smem:$0x3FAC] =	sst s8  }
0x11: {  	[smem:$0x3FAD] =	sst s9;
	s0 =	simm.s32 @!p0 $0x0  }
0x12: {  	s1 =	sld [smem:$0x3F93];
	s0 =	simm.s32 @p0 $0x1  }
0x13: {  	[smem:$0x3FAE] =	sst s0;
	s0 =	simm.s32 @!p1 $0x0  }
0x14: {  	s2 =	sld [smem:$0x3F92];
	s0 =	simm.s32 @p1 $0x1  }
0x15: {  	[smem:$0x3FAF] =	sst s0;
	s0 =	simm.s32 @!p2 $0x0  }
0x16: {  	s3 =	sld [smem:$0x3FDB];
	s0 =	simm.s32 @p2 $0x1  }
0x17: {  	s4 =	simm.s32 $0x1BF5;
	[smem:$0x3FB1] =	sst s0  }
0x18: {  	s0 =	sld [smem:$0x3F94];
	_ =	swait.ge [sflag:s4], $0x0  }
0x19: {  	s7 =	sld [smem:$0x3F95]  }
0x1a: {  	s8 =	sadd.s32 $0xFFFFE003, lr  }
0x1b: {  	s9 =	sadd.s32 $0xFFFFFEF7, lr;
	s5 =	simm.s32 $0xFFFFFFFF;
	p2 =	slt.u32 s8, $0xFFFFF086  }
0x1c: {  	p1 =	slt.u32 s9, $0xF7A;
	s5 =	simm.s32 @!p2 $0x0  }
0x1d: {  	s5 =	simm.s32 @p1 $0x1;
	p0 =	seq.s32 s7, s2  }
0x1e: {  	s7 =	smul.u32 @!p0 $0xF7A, s2;
	p2 =	seq.s32 @!p0 s5, $0x0  }
0x1f: {  	s9 =	smul.u32 $0xF7A, s1;
	s8 =	simm.s32 @!p0 $0x1BF5;
	p2 =	por !p2, p0  }
0x20: {  	[sflag:s8] =	ssyncset.s32 @!p0 $0xFFFFF086;
	s6 =	sadd.s32 @!p0 s3, s7;
	s7 =	simm.s32 @!p0 $0x108  }
0x21: {  	s3 =	sadd.s32 s3, s9;
	s6 =	sadd.s32 @!p0 $0x88, s6;
	s7 =	simm.s32 @p2 $0x1082  }
0x22: {  	[simem:s7], [sflag:s8] =	dma.local @!p0 [hbm:s6], $0xF7A  }
0x23: {  	s9 =	sor.u32 $0xD0000000, s2;
	s6 =	simm.s32 $0x108;
	_ =	swait.ge @!p0 [sflag:s8], $0x0  }
0x24: {  	s3 =	sadd.s32 $0x88, s3;
	s6 =	simm.s32 @!p1 $0x1082;
	[sflag:s4] =	ssyncset.s32 $0xFFFFF086  }
0x25: {  	[simem:s6], [sflag:s4] =	dma.local [hbm:s3], $0xF7A  }
0x26: {  	[smem:$0x3F95] =	sst s1;
	(tag) =	ssettag s2;
	_ =	strace s9  }
0x27: {  	s1 =	sld [smem:$0x3FA5]  }
0x28: {  	s2 =	sld [smem:$0x3FA6]  }
0x29: {  	s4 =	sld [smem:$0x3FA8]  }
0x2a: {  	p0 =	seq.s32 s5, $0x0;
	s5 =	sld [smem:$0x3FA9]  }
0x2b: {  	s6 =	sld [smem:$0x3FAA]  }
0x2c: {  	s7 =	sld [smem:$0x3FAB]  }
0x2d: {  	s3 =	simm.s32 $0x108;
	s8 =	sld [smem:$0x3FAC]  }
0x2e: {  	s3 =	simm.s32 @!p0 $0x1082;
	s9 =	sld [smem:$0x3FAD]  }
0x2f: {  	lr =	sadd.s32 s0, s3;
	s0 =	sld [smem:$0x3FA4]  }
0x30: {  	s3 =	sld [smem:$0x3FA7]  }
0x31: {  	[smem:$0x3FB0] =	sst s10  }
0x32: {  	s10 =	sld [smem:$0x3FAE];
	_ =	sdelay $0x3  }
0x33: {  	p0 =	seq.s32 s10, $0x1;
	s10 =	sld [smem:$0x3FB0];
	_ =	sdelay $0x3  }
0x34: {  	[smem:$0x3FB0] =	sst s10  }
0x35: {  	s10 =	sld [smem:$0x3FAF];
	_ =	sdelay $0x3  }
0x36: {  	p1 =	seq.s32 s10, $0x1;
	s10 =	sld [smem:$0x3FB0];
	_ =	sdelay $0x3  }
0x37: {  	[smem:$0x3FB0] =	sst s10  }
0x38: {  	s10 =	sld [smem:$0x3FB1]  }
0x39: {  	_ = 	snop;
	(pc) =	sbr.ind lr, $3  }
0x3a: {  	_ = 	snop  }
0x3b: {  	_ = 	snop  }
0x3c: {  	p2 =	seq.s32 s10, $0x1;
	s10 =	sld [smem:$0x3FB0]  }
0x3d: {  	_ =	shalt  }
0x3e: {  	_ =	shalt  }
0x3f: {  	_ =	shalt  }
0x40: {  	_ =	shalt  }
0x41: {  	_ =	shalt  }
0x42: {  	_ =	shalt  }
0x43: {  	_ =	shalt  }
0x44: {  	_ =	shalt  }
0x45: {  	_ =	shalt  }
0x46: {  	_ =	shalt  }
0x47: {  	_ =	shalt  }
0x48: {  	_ =	shalt  }
0x49: {  	_ =	shalt  }
0x4a: {  	_ =	shalt  }
0x4b: {  	_ =	shalt  }
0x4c: {  	_ =	shalt  }
0x4d: {  	_ =	shalt  }
0x4e: {  	_ =	shalt  }
0x4f: {  	_ =	shalt  }
0x50: {  	_ =	shalt  }
0x51: {  	_ =	shalt  }
0x52: {  	_ =	shalt  }
0x53: {  	_ =	shalt  }
0x54: {  	_ =	shalt  }
0x55: {  	_ =	shalt  }
0x56: {  	_ =	shalt  }
0x57: {  	_ =	shalt  }
0x58: {  	_ =	shalt  }
0x59: {  	_ =	shalt  }
0x5a: {  	_ =	shalt  }
0x5b: {  	_ =	shalt  }
0x5c: {  	_ =	shalt  }
0x5d: {  	_ =	shalt  }
0x5e: {  	_ =	shalt  }
0x5f: {  	_ =	shalt  }
0x60: {  	_ =	shalt  }
0x61: {  	_ =	shalt  }
0x62: {  	_ =	shalt  }
0x63: {  	_ =	shalt  }
0x64: {  	_ =	shalt  }
0x65: {  	_ =	shalt  }
0x66: {  	_ =	shalt  }
0x67: {  	_ =	shalt  }
0x68: {  	_ =	shalt  }
0x69: {  	_ =	shalt  }
0x6a: {  	_ =	shalt  }
0x6b: {  	_ =	shalt  }
0x6c: {  	_ =	shalt  }
0x6d: {  	_ =	shalt  }
0x6e: {  	_ =	shalt  }
0x6f: {  	_ =	shalt  }
0x70: {  	_ =	shalt  }
0x71: {  	_ =	shalt  }
0x72: {  	_ =	shalt  }
0x73: {  	_ =	shalt  }
0x74: {  	_ =	shalt  }
0x75: {  	_ =	shalt  }
0x76: {  	_ =	shalt  }
0x77: {  	_ =	shalt  }
0x78: {  	_ =	shalt  }
0x79: {  	_ =	shalt  }
0x7a: {  	_ =	shalt  }
0x7b: {  	_ =	shalt  }
0x7c: {  	_ =	shalt  }
0x7d: {  	_ =	shalt  }
0x7e: {  	_ =	shalt  }
0x7f: {  	_ =	shalt  }
0x80: {  	_ =	shalt  }
0x81: {  	_ =	shalt  }
0x82: {  	_ =	shalt  }
0x83: {  	_ =	shalt  }
0x84: {  	_ =	shalt  }
0x85: {  	_ =	shalt  }
0x86: {  	_ =	shalt  }
0x87: {  	_ =	shalt  }
.Lfunc_end0:
.L_simem_size_0:
called_computation.1_lowered:
.L_overlay_start_0:
0x88: {  	s2 =	sld [smem:$0x3FD9]  }
0x89: {  	s3 =	sld [smem:$0x3FFE];
	_ =	sdelay $0x1  }
0x8a: {  	s1 =	srdreg.scid  }
0x8b: {  	s0 =	sand.u32 $0x1, s1  }
0x8c: {  	s15 =	sshll.u32 s0, $0xA;
	s2 =	sadd.s32 s3, s2  }
0x8d: {  	s2 =	sadd.s32 s2, s15  }
0x8e: {  	[smem:$0x3FBC] =	sst s2  }
0x8f: {  	_ = 	snop  }
0x90: {  	s2 =	sld [smem:$0x3FD0];
	_ =	sdelay $0x2  }
0x91: {  	s16 =	simm.s32 $0xB;
	s4 =	simm.s32 $0x10  }
0x92: {  	[smem:s4], [sflag:s16] =	dma.local [hbm:s2], $0x1  }
0x93: {  	_ =	swait.eq [sflag:s16], $0x1  }
0x94: {  	[sflag:s16] =	ssyncset.done $0x0  }
0x95: {  	[sflag:s16] =	ssyncadd.s32 $0xFFFFFFFF  }
0x96: {  	s17 =	sld [smem:$0x11];
	(tm) =	ssettm $0x1  }
0x97: {  	s18 =	sld [smem:$0x3FFB];
	_ =	sdelay $0x3  }
0x98: {  	_ =	strace s18  }
0x99: {  	s2 =	sld [smem:$0x3FFC];
	_ =	sdelay $0x3  }
0x9a: {  	_ =	strace s2  }
0x9b: {  	s2 =	sld [smem:$0x3FFD];
	_ =	sdelay $0x3  }
0x9c: {  	_ =	strace s2  }
0x9d: {  	_ =	strace $0x8FFFFFFF  }
0x9e: {  	s19 =	sld [smem:$0x3FDB];
	_ =	sdelay $0x1  }
0x9f: {  	s20 =	simm.s32 $_scs_section_size  }
0xa0: {  	s5 =	simm.s32 $_size__tile_overlayer_lowered;
	s6 =	simm.s32 $_tile_overlayer_lowered  }
0xa1: {  	s7 =	simm.s32 $0x1BFF;
	s21 =	sshll.u32 s6, $0x1;
	s4 =	sadd.s32 s20, s19  }
0xa2: {  	s22 =	simm.s32 $0x0;
	s5 =	sshll.u32 s5, $0x1;
	s6 =	sadd.s32 s21, s4  }
0xa3: {  	[timem:s22], [sflag:s7] =	dma.local [hbm:s6], s5  }
0xa4: {  	_ =	swait.ge [sflag:s7], s5  }
0xa5: {  	s5 =	ssub.s32 $0x0, s5;
	[sflag:s7] =	ssyncset.done $0x0  }
0xa6: {  	[sflag:s7] =	ssyncadd.s32 s5;
	_ =	sdelay $0x1  }
0xa7: {  	s23 =	simm.s32 $0x1B8B  }
0xa8: {  	_ =	swait.ge [sflag:s23], $0x1  }
0xa9: {  	[sflag:s23] =	ssyncset.done $0x0  }
0xaa: {  	[sflag:s23] =	ssyncadd.s32 $0xFFFFFFFF  }
0xab: {  	s5 =	sld [smem:$0x0]  }
0xac: {  	s6 =	sand.u32 $0xFFFFFFFE, s1  }
0xad: {  	p0 =	sne.s32 s1, s6  }
0xae: {  	s6 =	sshll.u32 @p0 s6, $0xE  }
0xaf: {  	s6 =	sadd.s32 @p0 $0x11B8D, s6;
	s7 =	sshll.u32 @p0 s5, $0x11  }
0xb0: {  	s6 =	sor.u32 @p0 s7, s6  }
0xb1: {  	[sflag:s6] =	ssyncadd.remote.s32 @p0 $0x1;
	_ =	sdelay $0x1  }
0xb2: {  	s6 =	simm.s32 @p0 $0x1B8D  }
0xb3: {  	_ =	swait.eq @p0 [sflag:s6], $0x1  }
0xb4: {  	[sflag:s6] =	ssyncadd.s32 @p0 $0xFFFFFFFF  }
0xb5: {  	s7 =	sshll.u32 @!p0 s1, $0xE  }
0xb6: {  	s7 =	sor.u32 @!p0 $0x4000, s7;
	s6 =	simm.s32 @!p0 $0x1B8D  }
0xb7: {  	s5 =	sshll.u32 @!p0 s5, $0x11;
	s7 =	sadd.s32 @!p0 $0x11B8D, s7;
	_ =	swait.eq @!p0 [sflag:s6], $0x1  }
0xb8: {  	s5 =	sor.u32 @!p0 s5, s7;
	[sflag:s6] =	ssyncadd.s32 @!p0 $0xFFFFFFFF  }
0xb9: {  	s25 =	simm.s32 $0x1B8E;
	s24 =	sld [smem:$0x3FFE];
	[sflag:s5] =	ssyncadd.remote.s32 @!p0 $0x1  }
0xba: {  	s26 =	simm.s32 $execute0_lowered;
	[smem:$0x3FD2] =	sst s25  }
0xbb: {  	s6 =	sshll.u32 s26, $0x1;
	_ =	strace $0x80000049;
	[dreg:$0x1] =	wrdreg $0xFFFFFFFF  }
0xbc: {  	s28 =	simm.s32 $_size_execute0_lowered;
	s4 =	sadd.s32 s4, s6;
	[dreg:$0x0] =	wrdreg $0x0  }
0xbd: {  	s6 =	sshll.u32 s28, $0x1;
	[dreg:$0x2] =	wrdreg s4  }
0xbe: {  	[dreg:$0x3] =	wrdreg s6  }
0xbf: {  	[dreg:$0x4] =	wrdreg $0xC0  }
0xc0: {  	_ =	task [dreg:s22], $0x5FFFF  }
0xc1: {  	[dreg:$0x1] =	wrdreg $0xFFFFFFFF  }
0xc2: {  	[dreg:$0x0] =	wrdreg $0x60  }
0xc3: {  	[dreg:$0x2] =	wrdreg s24  }
0xc4: {  	[dreg:$0x3] =	wrdreg s17  }
0xc5: {  	[dreg:$0x4] =	wrdreg $0xA  }
0xc6: {  	_ =	task.clear_ibuf [dreg:s22], $0x5FFFF;
	_ =	strace $0x90000049  }
0xc7: {  	s29 =	simm.s32 $0xA;
	_ =	strace $0x8000004B  }
0xc8: {  	_ =	swait.ge [sflag:s29], $0x1  }
0xc9: {  	[sflag:s29] =	ssyncadd.s32 $0xFFFFFFFF  }
0xca: {  	_ =	strace $0x9000004B  }
0xcb: {  	_ =	sfence  }
0xcc: {  	s30 =	sld [smem:$0x0];
	_ =	sdelay $0x2  }
0xcd: {  	s31 =	sshll.u32 s1, $0xD;
	s1 =	sshrl.u32 s1, $0x2  }
0xce: {  	s4 =	sand.u32 $0x4000, s31;
	s1 =	sadd.s32 s1, s30  }
0xcf: {  	s0 =	sor.u32 s4, s0;
	s1 =	sshll.u32 s1, $0x11  }
0xd0: {  	s0 =	sor.u32 s1, s0  }
0xd1: {  	s0 =	sadd.s32 $0x8F2B, s0  }
0xd2: {  	[sflag:s0] =	ssyncadd.remote.s32 $0x1  }
0xd3: {  	_ =	sfence.sel $0xFFFF  }
0xd4: {  	[dreg:$0x0] =	wrdreg $0xFFFFFFFF;
	(pc) =	sbr.abs _section_cstart, $3  }
0xd5: {  	[dreg:$0x1] =	wrdreg $0xFFFFFFFF  }
0xd6: {  	_ =	task.clear_ibuf [dreg:s22], $0x2FFFF;
	_ =	strace $0x9FFFFFFF  }
0xd7: {  	(tm) =	ssettm $0x7FFFFFFF  }
tec
execute0_lowered:
.L_overlay_start_1:
0x0: {  	(tag) =	ssettag $0x1  }
0x1: {  	s7 =	rddreg [dreg:$0x0]  }
0x2: {  	s2 =	rddreg [dreg:$0x1]  }
0x3: {  	s0 =	rddreg [dreg:$0x2]  }
0x4: {  	s1 =	srdreg.scid;
	_ =	strace $0x8000004A;
	s4 =	simm.s32 $0x1  }
0x5: {  	s9 =	simm.s32 $0x3;
	s11 =	simm.s32 $0x0;
	s5 =	sshll.u32 s1, $0x4  }
.Ltmp0:
0x6: {  	s1 =	stileid.u32;
	s5 =	sand.u32 $0x10, s5;
	(pc) =	sbr.rel .LBB2_1-.Ltmp0, $4  }
0x7: {  	p0 =	por $0x0, $0x0;
	s3 =	sadd.s32 $0x103A00, s7;
	s6 =	sor.u32 s1, s5  }
0x8: {  	[sflag:s4] =	ssyncpa.u1 $0x0;
	s5 =	simm.s32 $0x2;
	s6 =	sshll.u32 s6, $0xA  }
0x9: {  	s7 =	sadd.s32 $0x183A00, s7;
	[sflag:s5] =	ssyncpa.u1 $0x0;
	s8 =	sadd.s32 $0x400, s6  }
0xa: {  	vm0 =	vmmov $0xff;
	vm1 =	vcmask $0x3F20;
	[sflag:s9] =	ssyncpa.u1 $0x0;
	s10 =	smov.u32 s6;
	s9 =	simm.s32 $0x0  }
.LBB2_7:
0xb: {  	p1 =	slt.u32 s9, $0x2;
	s11 =	sadd.s32 $0x100, s10  }
0xc: {  	s13 =	smov.u32 s6;
	s9 =	sadd.s32 $0x1, s9;
	p2 =	slt.s32 s11, s8  }
0xd: {  	s13 =	smov.u32 @p2 s11;
	p2 =	sne.s32 s9, $0x6  }
.Ltmp1:
0xe: {  	_ = 	snop;
	(pc) =	sbr.rel @!p2 .LBB2_8-.Ltmp1, $4  }
0xf: {  	s12 =	simm.s32 @!p1 $0x3  }
0x10: {  	_ =	swait.ge @!p1 [sflag:s12], $0x8000  }
0x11: {  	p0 =	por !p0, !p0;
	[sflag:s12] =	ssyncset.done @!p1 $0x0  }
0x12: {  	s11 =	smov.u32 s10;
	s10 =	smov.u32 s13;
	[sflag:s12] =	ssyncadd.s32 @!p1 $0xFFFF8000  }
.LBB2_1:
0x13: {  	p1 =	sgt.u32 s9, $0x3  }
0x14: {  	s12 =	sxor.u32 @!p1 $0xFFFFFFFF, s9  }
0x15: {  	s13 =	sshrl.u32 @!p1 s10, $0x3;
	s12 =	sshll.u32 @!p1 s12, $0x8  }
0x16: {  	s14 =	sand.u32 @!p1 $0x7, s10;
	s13 =	sadd.s32 @!p1 s2, s13;
	s12 =	sand.u32 @!p1 $0x100, s12  }
0x17: {  	[tilespmem:s12], [sflag:$0x2] =	stream.linear.gather @!p1 [hbm4b:s13+s14], $0x100, $0x38;
	[tilespmem:$0x10200] =	vst v63  }
0x18: {  	p1 =	seq.s32 s9, $0x0  }
0x19: {  	p2 =	seq.s32 @!p1 s9, $0x5  }
0x1a: {  	p1 =	por p1, p2  }
.Ltmp2:
0x1b: {  	_ = 	snop;
	(pc) =	sbr.rel @p1 .LBB2_7-.Ltmp2, $1  }
0x1c: {  	_ =	sdelay $0x3  }
0x1d: {  	s12 =	simm.s32 $0x1  }
0x1e: {  	_ =	swait.ge [sflag:s5], $0x100;
	s12 =	simm.s32 @!p0 $0x0  }
0x1f: {  	[sflag:s5] =	ssyncset.done $0x0;
	s14 =	sshll.u32 s12, $0x8  }
0x20: {  	[sflag:s5] =	ssyncadd.s32 $0xFFFFFF00;
	s13 =	sadd.s32 $0x0, s14  }
0x21: {  	v0 =	vld.msk [tilespmem:s13+$0x0 ss:$0x1], $0xffff;
	_ =	sdelay $0x4  }
0x22: {  	vm2 =	vgt.s32 v0, $0x0  }
0x23: {  	v0 =	vnsel vm2, $0x0, v0  }
0x24: {  	v0 =	vmin.u32 v0, $0x7FFF  }
0x25: {  	v0 =	vshll.u32 v0, $0x4;
	_ =	sdelay $0x2  }
0x26: {  	s12 =	sshll.u32 s12, $0xF  }
0x27: {  	s12 =	sor.u32 $0x200, s12  }
0x28: {  	[tilespmem:s12], [sflag:$0x1] =	stream.indirect_vreg.gather [hbm:s3], $0x80, v0, vm0, $0x38;
	[tilespmem:$0x10200] =	vst v63  }
0x29: {  	s15 =	sadd.s32 $0x10, s14;
	s13 =	sadd.s32 $0x400, s12  }
0x2a: {  	[tilespmem:s13], [sflag:$0x1] =	stream.indirect_vreg.gather [hbm:s3], $0x80, v0, vm1, $0x38;
	[tilespmem:$0x10200] =	vst v63  }
0x2b: {  	s16 =	simm.s32 $0x80;
	v0 =	vld.msk [tilespmem:s15+$0x0 ss:$0x1], $0xffff;
	s15 =	smov.u32 s12  }
.LBB2_3:
0x2c: {  	p1 =	sne.s32 s16, $0x3C0;
	_ =	sdelay $0x4  }
0x2d: {  	vm2 =	vgt.s32 v0, $0x0  }
0x2e: {  	v0 =	vnsel vm2, $0x0, v0  }
0x2f: {  	v0 =	vmin.u32 v0, $0x7FFF  }
0x30: {  	v0 =	vshll.u32 v0, $0x4;
	_ =	sdelay $0x3  }
.Ltmp3:
0x31: {  	s17 =	sshra.s32 s16, $0x2;
	s15 =	sadd.s32 $0x800, s15;
	(pc) =	sbr.rel @p1 .LBB2_3-.Ltmp3, $4  }
0x32: {  	[tilespmem:s15], [sflag:$0x1] =	stream.indirect_vreg.gather [hbm:s3], $0x80, v0, vm0, $0x38;
	[tilespmem:$0x10200] =	vst v63  }
0x33: {  	s17 =	sadd.s32 s17, s14;
	s18 =	sadd.s32 $0x400, s15  }
0x34: {  	[tilespmem:s18], [sflag:$0x1] =	stream.indirect_vreg.gather [hbm:s3], $0x80, v0, vm1, $0x38;
	[tilespmem:$0x10200] =	vst v63  }
0x35: {  	s16 =	sadd.s32 $0x40, s16;
	v0 =	vld.msk [tilespmem:s17+$0x0 ss:$0x1], $0xffff  }
0x36: {  	_ =	sdelay $0x3  }
0x37: {  	vm2 =	vgt.s32 v0, $0x0  }
0x38: {  	v0 =	vnsel vm2, $0x0, v0  }
0x39: {  	v0 =	vmin.u32 v0, $0x7FFF  }
0x3a: {  	v0 =	vshll.u32 v0, $0x4;
	_ =	sdelay $0x3  }
0x3b: {  	s14 =	sadd.s32 $0x800, s15  }
0x3c: {  	[tilespmem:s14], [sflag:$0x1] =	stream.indirect_vreg.gather [hbm:s3], $0x80, v0, vm0, $0x38;
	[tilespmem:$0x10200] =	vst v63  }
0x3d: {  	s14 =	sadd.s32 $0x400, s14  }
0x3e: {  	[tilespmem:s14], [sflag:$0x1] =	stream.indirect_vreg.gather [hbm:s3], $0x80, v0, vm1, $0x38;
	[tilespmem:$0x10200] =	vst v63  }
0x3f: {  	s11 =	sshll.u32 s11, $0x4;
	_ =	swait.ge [sflag:s4], $0x8000  }
0x40: {  	s11 =	sadd.s32 s11, s7;
	[sflag:s4] =	ssyncset.done $0x0  }
0x41: {  	s15 =	sadd.s32 $0x0, s11;
	s14 =	simm.s32 $0x80;
	[sflag:s4] =	ssyncadd.s32 $0xFFFF8000  }
.LBB2_5:
0x42: {  	[hbm:s15] =	stream.linear.scatter [tilespmem:s12], [sflag:$0x3], $0x400, $0x38;
	[tilespmem:$0x10200] =	vst v63  }
0x43: {  	s15 =	smov.u32 s14;
	s12 =	smov.u32 s13;
	p1 =	sne.s32 s14, $0xF80  }
.Ltmp4:
0x44: {  	s14 =	sadd.s32 $0x80, s14;
	(pc) =	sbr.rel @p1 .LBB2_5-.Ltmp4, $2  }
0x45: {  	_ =	sdelay $0x2  }
0x46: {  	s13 =	sadd.s32 $0x400, s13;
	s15 =	sadd.s32 s15, s11  }
.Ltmp5:
0x47: {  	(pc) =	sbr.rel .LBB2_7-.Ltmp5, $2  }
0x48: {  	_ =	sdelay $0x2  }
0x49: {  	[hbm:s15] =	stream.linear.scatter [tilespmem:s12], [sflag:$0x3], $0x400, $0x38;
	[tilespmem:$0x10200] =	vst v63  }
.LBB2_8:
0x4a: {  	_ =	sfence.sel $0x180000  }
0x4b: {  	s2 =	simm.s32 $0x2;
	[bflag:$0x0] =	sbarrier.arrive $0xFFFF  }
0x4c: {  	s30 =	simm.s32 $0x3;
	[sflag:s2] =	ssyncpa.u1 $0x1  }
0x4d: {  	s31 =	simm.s32 $0x1;
	[sflag:s30] =	ssyncpa.u1 $0x1  }
0x4e: {  	[sflag:s31] =	ssyncpa.u1 $0x1  }
0x4f: {  	p0 =	sne.s32 s1, $0x0;
	_ =	strace $0x9000004A  }
0x50: {  	s0 =	sadd.s32 @!p0 $0x100000, s0;
	[bflag:$0x2] =	sbarrier.arrive $0xFFFF  }
0x51: {  	[sflag:s0] =	ssyncadd.tile.s32 @!p0 $0x1;
	_ =	shalt  }
.Lfunc_end2:
_tile_overlayer_lowered:
.L_overlay_start_2:
0x52: {  	(tag) =	ssettag $0x2  }
0x53: {  	s0 =	rddreg [dreg:$0x0];
	s2 =	stileid.u32  }
0x54: {  	s1 =	rddreg [dreg:$0x1];
	p0 =	sne.s32 s2, $0x0  }
0x55: {  	s3 =	rddreg [dreg:$0x2];
	[bflag:$0x3] =	sbarrier.arrive $0xFFFF;
	s2 =	simm.s32 @!p0 $0x1C01  }
0x56: {  	[timem:s3], [sflag:s2] =	dma.local @!p0 [hbm:s0], s1  }
0x57: {  	s0 =	simm.s32 @!p0 $0x1  }
0x58: {  	_ =	swait.ge @!p0 [sflag:s0], s1  }
0x59: {  	s1 =	ssub.s32 @!p0 $0x0, s1;
	[sflag:s0] =	ssyncset.done @!p0 $0x0  }
0x5a: {  	[sflag:s0] =	ssyncadd.s32 @!p0 s1  }
0x5b: {  	[bflag:$0x3] =	sbarrier.arrive $0xFFFF  }
0x5c: {  	_ =	shalt  }

// kernel: gather_offload_async_start
scs
__scs_entry_jumppad:
0x0: {  	(pc) =	sbr.rel $0x88, $3  }
0x1: {  	(tag) =	ssettag $0x0;
	lr =	simm.s32 $0x1  }
0x2: {  	[smem:$0x3F95] =	sst lr;
	_ =	strace $0xD0000000  }
0x3: {  	_ = 	snop  }
0x4: {  	_ = 	snop  }
0x5: {  	_ = 	snop  }
0x6: {  	_ = 	snop  }
0x7: {  	_ = 	snop  }
__scs_overlays_trampoline_lowered:
0x8: {  	[smem:$0x3FA4] =	sst s0  }
0x9: {  	[smem:$0x3FA5] =	sst s1  }
0xa: {  	[smem:$0x3FA6] =	sst s2  }
0xb: {  	[smem:$0x3FA7] =	sst s3  }
0xc: {  	[smem:$0x3FA8] =	sst s4  }
0xd: {  	[smem:$0x3FA9] =	sst s5  }
0xe: {  	[smem:$0x3FAA] =	sst s6  }
0xf: {  	[smem:$0x3FAB] =	sst s7  }
0x10: {  	[smem:$0x3FAC] =	sst s8  }
0x11: {  	[smem:$0x3FAD] =	sst s9;
	s0 =	simm.s32 @!p0 $0x0  }
0x12: {  	s1 =	sld [smem:$0x3F93];
	s0 =	simm.s32 @p0 $0x1  }
0x13: {  	[smem:$0x3FAE] =	sst s0;
	s0 =	simm.s32 @!p1 $0x0  }
0x14: {  	s2 =	sld [smem:$0x3F92];
	s0 =	simm.s32 @p1 $0x1  }
0x15: {  	[smem:$0x3FAF] =	sst s0;
	s0 =	simm.s32 @!p2 $0x0  }
0x16: {  	s3 =	sld [smem:$0x3FDB];
	s0 =	simm.s32 @p2 $0x1  }
0x17: {  	s4 =	simm.s32 $0x1BF5;
	[smem:$0x3FB1] =	sst s0  }
0x18: {  	s0 =	sld [smem:$0x3F94];
	_ =	swait.ge [sflag:s4], $0x0  }
0x19: {  	s7 =	sld [smem:$0x3F95]  }
0x1a: {  	s8 =	sadd.s32 $0xFFFFE003, lr  }
0x1b: {  	s9 =	sadd.s32 $0xFFFFFEF7, lr;
	s5 =	simm.s32 $0xFFFFFFFF;
	p2 =	slt.u32 s8, $0xFFFFF086  }
0x1c: {  	p1 =	slt.u32 s9, $0xF7A;
	s5 =	simm.s32 @!p2 $0x0  }
0x1d: {  	s5 =	simm.s32 @p1 $0x1;
	p0 =	seq.s32 s7, s2  }
0x1e: {  	s7 =	smul.u32 @!p0 $0xF7A, s2;
	p2 =	seq.s32 @!p0 s5, $0x0  }
0x1f: {  	s9 =	smul.u32 $0xF7A, s1;
	s8 =	simm.s32 @!p0 $0x1BF5;
	p2 =	por !p2, p0  }
0x20: {  	[sflag:s8] =	ssyncset.s32 @!p0 $0xFFFFF086;
	s6 =	sadd.s32 @!p0 s3, s7;
	s7 =	simm.s32 @!p0 $0x108  }
0x21: {  	s3 =	sadd.s32 s3, s9;
	s6 =	sadd.s32 @!p0 $0x88, s6;
	s7 =	simm.s32 @p2 $0x1082  }
0x22: {  	[simem:s7], [sflag:s8] =	dma.local @!p0 [hbm:s6], $0xF7A  }
0x23: {  	s9 =	sor.u32 $0xD0000000, s2;
	s6 =	simm.s32 $0x108;
	_ =	swait.ge @!p0 [sflag:s8], $0x0  }
0x24: {  	s3 =	sadd.s32 $0x88, s3;
	s6 =	simm.s32 @!p1 $0x1082;
	[sflag:s4] =	ssyncset.s32 $0xFFFFF086  }
0x25: {  	[simem:s6], [sflag:s4] =	dma.local [hbm:s3], $0xF7A  }
0x26: {  	[smem:$0x3F95] =	sst s1;
	(tag) =	ssettag s2;
	_ =	strace s9  }
0x27: {  	s1 =	sld [smem:$0x3FA5]  }
0x28: {  	s2 =	sld [smem:$0x3FA6]  }
0x29: {  	s4 =	sld [smem:$0x3FA8]  }
0x2a: {  	p0 =	seq.s32 s5, $0x0;
	s5 =	sld [smem:$0x3FA9]  }
0x2b: {  	s6 =	sld [smem:$0x3FAA]  }
0x2c: {  	s7 =	sld [smem:$0x3FAB]  }
0x2d: {  	s3 =	simm.s32 $0x108;
	s8 =	sld [smem:$0x3FAC]  }
0x2e: {  	s3 =	simm.s32 @!p0 $0x1082;
	s9 =	sld [smem:$0x3FAD]  }
0x2f: {  	lr =	sadd.s32 s0, s3;
	s0 =	sld [smem:$0x3FA4]  }
0x30: {  	s3 =	sld [smem:$0x3FA7]  }
0x31: {  	[smem:$0x3FB0] =	sst s10  }
0x32: {  	s10 =	sld [smem:$0x3FAE];
	_ =	sdelay $0x3  }
0x33: {  	p0 =	seq.s32 s10, $0x1;
	s10 =	sld [smem:$0x3FB0];
	_ =	sdelay $0x3  }
0x34: {  	[smem:$0x3FB0] =	sst s10  }
0x35: {  	s10 =	sld [smem:$0x3FAF];
	_ =	sdelay $0x3  }
0x36: {  	p1 =	seq.s32 s10, $0x1;
	s10 =	sld [smem:$0x3FB0];
	_ =	sdelay $0x3  }
0x37: {  	[smem:$0x3FB0] =	sst s10  }
0x38: {  	s10 =	sld [smem:$0x3FB1]  }
0x39: {  	_ = 	snop;
	(pc) =	sbr.ind lr, $3  }
0x3a: {  	_ = 	snop  }
0x3b: {  	_ = 	snop  }
0x3c: {  	p2 =	seq.s32 s10, $0x1;
	s10 =	sld [smem:$0x3FB0]  }
0x3d: {  	_ =	shalt  }
0x3e: {  	_ =	shalt  }
0x3f: {  	_ =	shalt  }
0x40: {  	_ =	shalt  }
0x41: {  	_ =	shalt  }
0x42: {  	_ =	shalt  }
0x43: {  	_ =	shalt  }
0x44: {  	_ =	shalt  }
0x45: {  	_ =	shalt  }
0x46: {  	_ =	shalt  }
0x47: {  	_ =	shalt  }
0x48: {  	_ =	shalt  }
0x49: {  	_ =	shalt  }
0x4a: {  	_ =	shalt  }
0x4b: {  	_ =	shalt  }
0x4c: {  	_ =	shalt  }
0x4d: {  	_ =	shalt  }
0x4e: {  	_ =	shalt  }
0x4f: {  	_ =	shalt  }
0x50: {  	_ =	shalt  }
0x51: {  	_ =	shalt  }
0x52: {  	_ =	shalt  }
0x53: {  	_ =	shalt  }
0x54: {  	_ =	shalt  }
0x55: {  	_ =	shalt  }
0x56: {  	_ =	shalt  }
0x57: {  	_ =	shalt  }
0x58: {  	_ =	shalt  }
0x59: {  	_ =	shalt  }
0x5a: {  	_ =	shalt  }
0x5b: {  	_ =	shalt  }
0x5c: {  	_ =	shalt  }
0x5d: {  	_ =	shalt  }
0x5e: {  	_ =	shalt  }
0x5f: {  	_ =	shalt  }
0x60: {  	_ =	shalt  }
0x61: {  	_ =	shalt  }
0x62: {  	_ =	shalt  }
0x63: {  	_ =	shalt  }
0x64: {  	_ =	shalt  }
0x65: {  	_ =	shalt  }
0x66: {  	_ =	shalt  }
0x67: {  	_ =	shalt  }
0x68: {  	_ =	shalt  }
0x69: {  	_ =	shalt  }
0x6a: {  	_ =	shalt  }
0x6b: {  	_ =	shalt  }
0x6c: {  	_ =	shalt  }
0x6d: {  	_ =	shalt  }
0x6e: {  	_ =	shalt  }
0x6f: {  	_ =	shalt  }
0x70: {  	_ =	shalt  }
0x71: {  	_ =	shalt  }
0x72: {  	_ =	shalt  }
0x73: {  	_ =	shalt  }
0x74: {  	_ =	shalt  }
0x75: {  	_ =	shalt  }
0x76: {  	_ =	shalt  }
0x77: {  	_ =	shalt  }
0x78: {  	_ =	shalt  }
0x79: {  	_ =	shalt  }
0x7a: {  	_ =	shalt  }
0x7b: {  	_ =	shalt  }
0x7c: {  	_ =	shalt  }
0x7d: {  	_ =	shalt  }
0x7e: {  	_ =	shalt  }
0x7f: {  	_ =	shalt  }
0x80: {  	_ =	shalt  }
0x81: {  	_ =	shalt  }
0x82: {  	_ =	shalt  }
0x83: {  	_ =	shalt  }
0x84: {  	_ =	shalt  }
0x85: {  	_ =	shalt  }
0x86: {  	_ =	shalt  }
0x87: {  	_ =	shalt  }
.Lfunc_end0:
.L_simem_size_0:
called_computation_lowered:
.L_overlay_start_0:
0x88: {  	s2 =	sld [smem:$0x3FD9]  }
0x89: {  	s3 =	sld [smem:$0x3FFE];
	_ =	sdelay $0x1  }
0x8a: {  	s1 =	srdreg.scid  }
0x8b: {  	s0 =	sand.u32 $0x1, s1  }
0x8c: {  	s14 =	sshll.u32 s0, $0xA;
	s2 =	sadd.s32 s3, s2  }
0x8d: {  	s2 =	sadd.s32 s2, s14  }
0x8e: {  	[smem:$0x3FBC] =	sst s2  }
0x8f: {  	_ = 	snop  }
0x90: {  	s2 =	sld [smem:$0x3FD0];
	_ =	sdelay $0x2  }
0x91: {  	s15 =	simm.s32 $0xB;
	s4 =	simm.s32 $0x10  }
0x92: {  	[smem:s4], [sflag:s15] =	dma.local [hbm:s2], $0x1  }
0x93: {  	_ =	swait.eq [sflag:s15], $0x1  }
0x94: {  	[sflag:s15] =	ssyncset.done $0x0  }
0x95: {  	[sflag:s15] =	ssyncadd.s32 $0xFFFFFFFF  }
0x96: {  	s16 =	sld [smem:$0x11];
	(tm) =	ssettm $0x1  }
0x97: {  	s17 =	sld [smem:$0x3FFB];
	_ =	sdelay $0x3  }
0x98: {  	_ =	strace s17  }
0x99: {  	s3 =	sld [smem:$0x3FFC];
	_ =	sdelay $0x3  }
0x9a: {  	_ =	strace s3  }
0x9b: {  	s3 =	sld [smem:$0x3FFD];
	_ =	sdelay $0x3  }
0x9c: {  	_ =	strace s3  }
0x9d: {  	_ =	strace $0x8FFFFFFF  }
0x9e: {  	s18 =	sld [smem:$0x3FDB];
	_ =	sdelay $0x1  }
0x9f: {  	s19 =	simm.s32 $_scs_section_size  }
0xa0: {  	s5 =	simm.s32 $_size__tile_overlayer_lowered;
	s6 =	simm.s32 $_tile_overlayer_lowered  }
0xa1: {  	s22 =	simm.s32 $0x1BFF;
	s21 =	sshll.u32 s6, $0x1;
	s3 =	sadd.s32 s19, s18  }
0xa2: {  	s7 =	simm.s32 $0x0;
	s20 =	sshll.u32 s5, $0x1;
	s5 =	sadd.s32 s21, s3  }
0xa3: {  	[timem:s7], [sflag:s22] =	dma.local [hbm:s5], s20  }
0xa4: {  	_ =	swait.ge [sflag:s22], s20  }
0xa5: {  	s4 =	ssub.s32 $0x0, s20;
	[sflag:s22] =	ssyncset.done $0x0  }
0xa6: {  	[sflag:s22] =	ssyncadd.s32 s4;
	_ =	sdelay $0x1  }
0xa7: {  	s23 =	simm.s32 $0x1B8B  }
0xa8: {  	_ =	swait.ge [sflag:s23], $0x1  }
0xa9: {  	[sflag:s23] =	ssyncset.done $0x0  }
0xaa: {  	s25 =	simm.s32 $0x1B8E;
	s24 =	sld [smem:$0x3FFE];
	[sflag:s23] =	ssyncadd.s32 $0xFFFFFFFF  }
0xab: {  	s26 =	simm.s32 $execute0_lowered;
	[smem:$0x3FD2] =	sst s25  }
0xac: {  	s5 =	sshll.u32 s26, $0x1;
	_ =	strace $0x80000046;
	[dreg:$0x1] =	wrdreg $0xFFFFFFFF  }
0xad: {  	s28 =	simm.s32 $_size_execute0_lowered;
	s3 =	sadd.s32 s3, s5;
	[dreg:$0x0] =	wrdreg $0x0  }
0xae: {  	s5 =	sshll.u32 s28, $0x1;
	[dreg:$0x2] =	wrdreg s3  }
0xaf: {  	[dreg:$0x3] =	wrdreg s5  }
0xb0: {  	[dreg:$0x4] =	wrdreg $0xC0  }
0xb1: {  	_ =	task [dreg:s7], $0x5FFFF  }
0xb2: {  	[dreg:$0x1] =	wrdreg $0xFFFFFFFF  }
0xb3: {  	[dreg:$0x0] =	wrdreg $0x60  }
0xb4: {  	[dreg:$0x2] =	wrdreg s24  }
0xb5: {  	[dreg:$0x3] =	wrdreg s16  }
0xb6: {  	[dreg:$0x4] =	wrdreg $0x9  }
0xb7: {  	_ =	task.clear_ibuf [dreg:s7], $0x5FFFF;
	_ =	strace $0x90000046  }
0xb8: {  	s29 =	simm.s32 $0x9;
	_ =	strace $0x80000048  }
0xb9: {  	_ =	swait.ge [sflag:s29], $0x1  }
0xba: {  	[sflag:s29] =	ssyncadd.s32 $0xFFFFFFFF  }
0xbb: {  	_ =	strace $0x90000048  }
0xbc: {  	_ =	sfence  }
0xbd: {  	s30 =	sld [smem:$0x0];
	_ =	sdelay $0x2  }
0xbe: {  	s31 =	sshll.u32 s1, $0xD;
	s1 =	sshrl.u32 s1, $0x2  }
0xbf: {  	s3 =	sand.u32 $0x4000, s31;
	s1 =	sadd.s32 s1, s30  }
0xc0: {  	s0 =	sor.u32 s3, s0;
	s1 =	sshll.u32 s1, $0x11  }
0xc1: {  	s0 =	sor.u32 s1, s0  }
0xc2: {  	s0 =	sadd.s32 $0x8F2B, s0  }
0xc3: {  	[sflag:s0] =	ssyncadd.remote.s32 $0x1  }
0xc4: {  	_ =	sfence.sel $0xFFFF  }
0xc5: {  	[dreg:$0x0] =	wrdreg $0xFFFFFFFF;
	(pc) =	sbr.abs _section_cstart, $3  }
0xc6: {  	[dreg:$0x1] =	wrdreg $0xFFFFFFFF  }
0xc7: {  	_ =	task.clear_ibuf [dreg:s7], $0x2FFFF;
	_ =	strace $0x9FFFFFFF  }
0xc8: {  	(tm) =	ssettm $0x7FFFFFFF  }
0xc9: {  	_ =	shalt  }
tec
execute0_lowered:
.L_overlay_start_1:
0x0: {  	(tag) =	ssettag $0x1  }
0x1: {  	s7 =	rddreg [dreg:$0x0]  }
0x2: {  	s2 =	rddreg [dreg:$0x1]  }
0x3: {  	s0 =	rddreg [dreg:$0x2]  }
0x4: {  	s1 =	srdreg.scid;
	_ =	strace $0x80000047;
	s4 =	simm.s32 $0x1  }
0x5: {  	s9 =	simm.s32 $0x3;
	s11 =	simm.s32 $0x0;
	s5 =	sshll.u32 s1, $0x4  }
.Ltmp0:
0x6: {  	s1 =	stileid.u32;
	s5 =	sand.u32 $0x10, s5;
	(pc) =	sbr.rel .LBB2_1-.Ltmp0, $4  }
0x7: {  	p0 =	por $0x0, $0x0;
	s3 =	sadd.s32 $0x2E00, s7;
	s6 =	sor.u32 s1, s5  }
0x8: {  	[sflag:s4] =	ssyncpa.u1 $0x0;
	s5 =	simm.s32 $0x2;
	s6 =	sshll.u32 s6, $0xA  }
0x9: {  	s7 =	sadd.s32 $0x83600, s7;
	[sflag:s5] =	ssyncpa.u1 $0x0;
	s8 =	sadd.s32 $0x400, s6  }
0xa: {  	vm0 =	vmmov $0xff;
	vm1 =	vcmask $0x3F20;
	[sflag:s9] =	ssyncpa.u1 $0x0;
	s10 =	smov.u32 s6;
	s9 =	simm.s32 $0x0  }
.LBB2_7:
0xb: {  	p1 =	slt.u32 s9, $0x2;
	s11 =	sadd.s32 $0x100, s10  }
0xc: {  	s13 =	smov.u32 s6;
	s9 =	sadd.s32 $0x1, s9;
	p2 =	slt.s32 s11, s8  }
0xd: {  	s13 =	smov.u32 @p2 s11;
	p2 =	sne.s32 s9, $0x6  }
.Ltmp1:
0xe: {  	_ = 	snop;
	(pc) =	sbr.rel @!p2 .LBB2_8-.Ltmp1, $4  }
0xf: {  	s12 =	simm.s32 @!p1 $0x3  }
0x10: {  	_ =	swait.ge @!p1 [sflag:s12], $0x8000  }
0x11: {  	p0 =	por !p0, !p0;
	[sflag:s12] =	ssyncset.done @!p1 $0x0  }
0x12: {  	s11 =	smov.u32 s10;
	s10 =	smov.u32 s13;
	[sflag:s12] =	ssyncadd.s32 @!p1 $0xFFFF8000  }
.LBB2_1:
0x13: {  	p1 =	sgt.u32 s9, $0x3  }
0x14: {  	s12 =	sxor.u32 @!p1 $0xFFFFFFFF, s9  }
0x15: {  	s13 =	sshrl.u32 @!p1 s10, $0x3;
	s12 =	sshll.u32 @!p1 s12, $0x8  }
0x16: {  	s14 =	sand.u32 @!p1 $0x7, s10;
	s13 =	sadd.s32 @!p1 s2, s13;
	s12 =	sand.u32 @!p1 $0x100, s12  }
0x17: {  	[tilespmem:s12], [sflag:$0x2] =	stream.linear.gather @!p1 [hbm4b:s13+s14], $0x100, $0x38;
	[tilespmem:$0x10200] =	vst v63  }
0x18: {  	p1 =	seq.s32 s9, $0x0  }
0x19: {  	p2 =	seq.s32 @!p1 s9, $0x5  }
0x1a: {  	p1 =	por p1, p2  }
.Ltmp2:
0x1b: {  	_ = 	snop;
	(pc) =	sbr.rel @p1 .LBB2_7-.Ltmp2, $1  }
0x1c: {  	_ =	sdelay $0x3  }
0x1d: {  	s12 =	simm.s32 $0x1  }
0x1e: {  	_ =	swait.ge [sflag:s5], $0x100;
	s12 =	simm.s32 @!p0 $0x0  }
0x1f: {  	[sflag:s5] =	ssyncset.done $0x0;
	s14 =	sshll.u32 s12, $0x8  }
0x20: {  	[sflag:s5] =	ssyncadd.s32 $0xFFFFFF00;
	s13 =	sadd.s32 $0x0, s14  }
0x21: {  	v0 =	vld.msk [tilespmem:s13+$0x0 ss:$0x1], $0xffff;
	_ =	sdelay $0x4  }
0x22: {  	vm2 =	vgt.s32 v0, $0x0  }
0x23: {  	v0 =	vnsel vm2, $0x0, v0  }
0x24: {  	v0 =	vmin.u32 v0, $0x7FFF  }
0x25: {  	v0 =	vshll.u32 v0, $0x4;
	_ =	sdelay $0x2  }
0x26: {  	s12 =	sshll.u32 s12, $0xF  }
0x27: {  	s12 =	sor.u32 $0x200, s12  }
0x28: {  	[tilespmem:s12], [sflag:$0x1] =	stream.indirect_vreg.gather [hbm:s3], $0x80, v0, vm0, $0x38;
	[tilespmem:$0x10200] =	vst v63  }
0x29: {  	s15 =	sadd.s32 $0x10, s14;
	s13 =	sadd.s32 $0x400, s12  }
0x2a: {  	[tilespmem:s13], [sflag:$0x1] =	stream.indirect_vreg.gather [hbm:s3], $0x80, v0, vm1, $0x38;
	[tilespmem:$0x10200] =	vst v63  }
0x2b: {  	s16 =	simm.s32 $0x80;
	v0 =	vld.msk [tilespmem:s15+$0x0 ss:$0x1], $0xffff;
	s15 =	smov.u32 s12  }
.LBB2_3:
0x2c: {  	p1 =	sne.s32 s16, $0x3C0;
	_ =	sdelay $0x4  }
0x2d: {  	vm2 =	vgt.s32 v0, $0x0  }
0x2e: {  	v0 =	vnsel vm2, $0x0, v0  }
0x2f: {  	v0 =	vmin.u32 v0, $0x7FFF  }
0x30: {  	v0 =	vshll.u32 v0, $0x4;
	_ =	sdelay $0x3  }
.Ltmp3:
0x31: {  	s17 =	sshra.s32 s16, $0x2;
	s15 =	sadd.s32 $0x800, s15;
	(pc) =	sbr.rel @p1 .LBB2_3-.Ltmp3, $4  }
0x32: {  	[tilespmem:s15], [sflag:$0x1] =	stream.indirect_vreg.gather [hbm:s3], $0x80, v0, vm0, $0x38;
	[tilespmem:$0x10200] =	vst v63  }
0x33: {  	s17 =	sadd.s32 s17, s14;
	s18 =	sadd.s32 $0x400, s15  }
0x34: {  	[tilespmem:s18], [sflag:$0x1] =	stream.indirect_vreg.gather [hbm:s3], $0x80, v0, vm1, $0x38;
	[tilespmem:$0x10200] =	vst v63  }
0x35: {  	s16 =	sadd.s32 $0x40, s16;
	v0 =	vld.msk [tilespmem:s17+$0x0 ss:$0x1], $0xffff  }
0x36: {  	_ =	sdelay $0x3  }
0x37: {  	vm2 =	vgt.s32 v0, $0x0  }
0x38: {  	v0 =	vnsel vm2, $0x0, v0  }
0x39: {  	v0 =	vmin.u32 v0, $0x7FFF  }
0x3a: {  	v0 =	vshll.u32 v0, $0x4;
	_ =	sdelay $0x3  }
0x3b: {  	s14 =	sadd.s32 $0x800, s15  }
0x3c: {  	[tilespmem:s14], [sflag:$0x1] =	stream.indirect_vreg.gather [hbm:s3], $0x80, v0, vm0, $0x38;
	[tilespmem:$0x10200] =	vst v63  }
0x3d: {  	s14 =	sadd.s32 $0x400, s14  }
0x3e: {  	[tilespmem:s14], [sflag:$0x1] =	stream.indirect_vreg.gather [hbm:s3], $0x80, v0, vm1, $0x38;
	[tilespmem:$0x10200] =	vst v63  }
0x3f: {  	s11 =	sshll.u32 s11, $0x4;
	_ =	swait.ge [sflag:s4], $0x8000  }
0x40: {  	s11 =	sadd.s32 s11, s7;
	[sflag:s4] =	ssyncset.done $0x0  }
0x41: {  	s15 =	sadd.s32 $0x0, s11;
	s14 =	simm.s32 $0x80;
	[sflag:s4] =	ssyncadd.s32 $0xFFFF8000  }
.LBB2_5:
0x42: {  	[hbm:s15] =	stream.linear.scatter [tilespmem:s12], [sflag:$0x3], $0x400, $0x38;
	[tilespmem:$0x10200] =	vst v63  }
0x43: {  	s15 =	smov.u32 s14;
	s12 =	smov.u32 s13;
	p1 =	sne.s32 s14, $0xF80  }
.Ltmp4:
0x44: {  	s14 =	sadd.s32 $0x80, s14;
	(pc) =	sbr.rel @p1 .LBB2_5-.Ltmp4, $2  }
0x45: {  	_ =	sdelay $0x2  }
0x46: {  	s13 =	sadd.s32 $0x400, s13;
	s15 =	sadd.s32 s15, s11  }
.Ltmp5:
0x47: {  	(pc) =	sbr.rel .LBB2_7-.Ltmp5, $2  }
0x48: {  	_ =	sdelay $0x2  }
0x49: {  	[hbm:s15] =	stream.linear.scatter [tilespmem:s12], [sflag:$0x3], $0x400, $0x38;
	[tilespmem:$0x10200] =	vst v63  }
.LBB2_8:
0x4a: {  	_ =	sfence.sel $0x180000  }
0x4b: {  	s2 =	simm.s32 $0x2;
	[bflag:$0x0] =	sbarrier.arrive $0xFFFF  }
0x4c: {  	s30 =	simm.s32 $0x3;
	[sflag:s2] =	ssyncpa.u1 $0x1  }
0x4d: {  	s31 =	simm.s32 $0x1;
	[sflag:s30] =	ssyncpa.u1 $0x1  }
0x4e: {  	[sflag:s31] =	ssyncpa.u1 $0x1  }
0x4f: {  	p0 =	sne.s32 s1, $0x0;
	_ =	strace $0x90000047  }
0x50: {  	s0 =	sadd.s32 @!p0 $0x100000, s0;
	[bflag:$0x2] =	sbarrier.arrive $0xFFFF  }
0x51: {  	[sflag:s0] =	ssyncadd.tile.s32 @!p0 $0x1;
	_ =	shalt  }
.Lfunc_end2:
_tile_overlayer_lowered:
.L_overlay_start_2:
0x52: {  	(tag) =	ssettag $0x2  }
0x53: {  	s0 =	rddreg [dreg:$0x0];
	s2 =	stileid.u32  }
0x54: {  	s1 =	rddreg [dreg:$0x1];
	p0 =	sne.s32 s2, $0x0  }
0x55: {  	s3 =	rddreg [dreg:$0x2];
	[bflag:$0x3] =	sbarrier.arrive $0xFFFF;
	s2 =	simm.s32 @!p0 $0x1C01  }
0x56: {  	[timem:s3], [sflag:s2] =	dma.local @!p0 [hbm:s0], s1  }
0x57: {  	s0 =	simm.s32 @!p0 $0x1  }
0x58: {  	_ =	swait.ge @!p0 [sflag:s0], s1  }
0x59: {  	s1 =	ssub.s32 @!p0 $0x0, s1;
	[sflag:s0] =	ssyncset.done @!p0 $0x0  }
0x5a: {  	[sflag:s0] =	ssyncadd.s32 @!p0 s1  }
0x5b: {  	[bflag:$0x3] =	sbarrier.arrive $0xFFFF  }
0x5c: {  	_ =	shalt  }

</sc_bundles>
